<compile_context>
chip_gen: v7x
topology: tpu7x:2x2x1
jax: 0.10.2.dev20260603
libtpu: 0.0.44.dev20260713+nightly
codegen_flags: <defaults>
</compile_context>

<pallas_src>
import jax
import jax.numpy as jnp
from jax import lax
from jax.experimental import pallas as pl
from jax.experimental.pallas import tpu as pltpu
from jax.experimental.pallas import tpu_sc as plsc

N = 10000
D = 128
CH = 128
NCHUNK = 160
NC = 2
NS = 16
EPAD = NS * NCHUNK * CH
HALF = 5120
DUM = 512
ACC_ROWS = HALF + DUM
RPT = ACC_ROWS // NS
BLK = 1000
GRID = N // BLK


def _agg_body(xws, rowr, colr, zrows, out, rowv, colv, buf0, buf1, acc, g0, g1):
    c = lax.axis_index("c")
    s = lax.axis_index("s")
    pltpu.sync_copy(rowr.at[s], rowv)
    pltpu.sync_copy(colr.at[c, s], colv)
    pltpu.sync_copy(zrows, acc.at[pl.ds(s * RPT, RPT)])
    plsc.subcore_barrier()

    bufs = (buf0, buf1)
    sems = (g0, g1)
    pltpu.async_copy(xws.at[rowv.at[0]], buf0, g0)
    pltpu.async_copy(xws.at[rowv.at[1]], buf1, g1)

    def body(i, carry):
        j0 = i * 2
        for b in range(2):
            j = j0 + b
            pltpu.make_async_copy(xws.at[rowv.at[j]], bufs[b], sems[b]).wait()
            pltpu.sync_copy(bufs[b], acc.at[colv.at[j]], add=True)

            @pl.when(j + 2 < NCHUNK)
            def _():
                pltpu.async_copy(xws.at[rowv.at[j + 2]], bufs[b], sems[b])

        return carry

    lax.fori_loop(0, NCHUNK // 2, body, 0)
    plsc.subcore_barrier()
    base = s * RPT
    for off, nr in ((0, 128), (128, 128), (256, 96)):
        pltpu.sync_copy(acc.at[pl.ds(base + off, nr)], buf0.at[pl.ds(0, nr)])
        pltpu.sync_copy(buf0.at[pl.ds(0, nr)], out.at[c, pl.ds(base + off, nr)])


_sc_agg = pl.kernel(
    _agg_body,
    out_type=jax.ShapeDtypeStruct((NC, ACC_ROWS, D), jnp.float32),
    mesh=plsc.VectorSubcoreMesh(core_axis_name="c", subcore_axis_name="s"),
    scratch_types=[
        pltpu.VMEM((NCHUNK, CH), jnp.int32),
        pltpu.VMEM((NCHUNK, CH), jnp.int32),
        pltpu.VMEM((CH, D), jnp.float32),
        pltpu.VMEM((CH, D), jnp.float32),
        pltpu.VMEM_SHARED((ACC_ROWS, D), jnp.float32),
        pltpu.SemaphoreType.DMA,
        pltpu.SemaphoreType.DMA,
    ],
)


def _tc_step_body(p_ref, xws_ref, dis_ref, f_ref, flag_ref, b_ref, w_ref,
                  xn_ref, disn_ref, o_ref):
    first = flag_ref[0, 0] == 0.0
    psum = p_ref[...]
    deg = psum[:, 0:1] + 1.0
    dis_new = jnp.where(deg > 0, lax.rsqrt(deg), 0.0)
    dis = jnp.where(first, dis_new, dis_ref[...])
    o = dis * (psum + xws_ref[...]) + b_ref[...]
    o_ref[...] = o
    z = jnp.where(first, f_ref[...], jnp.maximum(o, 0.0))
    xn_ref[...] = jnp.dot(z, w_ref[...], preferred_element_type=jnp.float32) * dis
    disn_ref[...] = dis


def _tc_step(P, xws, dis2, feats, flag, b, Wn):
    return pl.pallas_call(
        _tc_step_body,
        grid=(GRID,),
        in_specs=[
            pl.BlockSpec((BLK, D), lambda i: (i, 0)),
            pl.BlockSpec((BLK, D), lambda i: (i, 0)),
            pl.BlockSpec((BLK, 1), lambda i: (i, 0)),
            pl.BlockSpec((BLK, D), lambda i: (i, 0)),
            pl.BlockSpec((1, 1), lambda i: (0, 0), memory_space=pltpu.SMEM),
            pl.BlockSpec((1, D), lambda i: (0, 0)),
            pl.BlockSpec((D, D), lambda i: (0, 0)),
        ],
        out_specs=[
            pl.BlockSpec((BLK, D), lambda i: (i, 0)),
            pl.BlockSpec((BLK, 1), lambda i: (i, 0)),
            pl.BlockSpec((BLK, D), lambda i: (i, 0)),
        ],
        out_shape=[
            jax.ShapeDtypeStruct((N, D), jnp.float32),
            jax.ShapeDtypeStruct((N, 1), jnp.float32),
            jax.ShapeDtypeStruct((N, D), jnp.float32),
        ],
    )(P, xws, dis2, feats, flag, b, Wn)


def kernel(features, edge_index, W1, b1, W2, b2, W3, b3):
    row = edge_index[0].astype(jnp.int32)
    col = edge_index[1].astype(jnp.int32)
    pad = EPAD - row.shape[0]
    rowp = jnp.pad(row, (0, pad)).reshape(NS, NCHUNK, CH)
    colx = jnp.pad(col, (0, pad), constant_values=-1)
    spread = HALF + (jnp.arange(EPAD, dtype=jnp.int32) % DUM)

    def remap(c):
        lc = colx - c * HALF
        inr = (lc >= 0) & (lc < HALF)
        return jnp.where(inr, lc, spread)

    colp = jnp.stack([remap(0), remap(1)]).reshape(NC, NS, NCHUNK, CH)
    zrows = jnp.zeros((RPT, D), jnp.float32)

    Wstack = jnp.stack([W1, W2, W3, jnp.eye(D, dtype=jnp.float32)])
    zb = jnp.zeros_like(b1)
    bstack = jnp.stack([zb, b1, b2, b3]).reshape(4, 1, D)
    flags = jnp.arange(4, dtype=jnp.float32).reshape(4, 1, 1)

    def step(carry, xs):
        xws, dis2, _ = carry
        flag, b_i, W_i = xs
        Pacc = _sc_agg(xws, rowp, colp, zrows)
        P = jnp.concatenate([Pacc[0, :HALF], Pacc[1, : N - HALF]])
        xn, disn, o = _tc_step(P, xws, dis2, features, flag, b_i, W_i)
        return (xn, disn, o), None

    init = (
        jnp.ones((N, D), jnp.float32),
        jnp.ones((N, 1), jnp.float32),
        jnp.zeros((N, D), jnp.float32),
    )
    (_, _, out), _ = lax.scan(step, init, (flags, bstack, Wstack))
    return out

# --- scband reference (transcript-rebuilt; emitter-appended) ---
"""Pipeline reference for scband-drgstencoder-83545703842334 (READ-ONLY COPY).

The authoritative reference and input builder live on the scoring server;
editing this copy changes nothing except your own understanding.
"""

import jax, jax.numpy as jnp
import numpy as np

N_NODES = 10000
N_EDGES = 320000
D_FEAT = 128
D_HID = 128
D_OUT = 128


def _glorot(key, shape):
    fan_in, fan_out = shape[0], shape[1]
    limit = np.sqrt(6.0 / (fan_in + fan_out))
    return jax.random.uniform(key, shape, dtype=jnp.float32, minval=-limit, maxval=limit)


def setup_inputs(seed: int = 0) -> dict:
    key = jax.random.key(seed)
    ks = jax.random.split(key, 8)
    features = jax.random.normal(ks[0], (N_NODES, D_FEAT), dtype=jnp.float32)
    edge_index = jax.random.randint(ks[1], (2, N_EDGES), 0, N_NODES, dtype=jnp.int64)
    W1 = _glorot(ks[2], (D_FEAT, D_HID))
    b1 = jnp.zeros((D_HID,), dtype=jnp.float32)
    W2 = _glorot(ks[3], (D_HID, D_HID))
    b2 = jnp.zeros((D_HID,), dtype=jnp.float32)
    W3 = _glorot(ks[4], (D_HID, D_OUT))
    b3 = jnp.zeros((D_OUT,), dtype=jnp.float32)
    return {"features": features, "edge_index": edge_index, "W1": W1, "b1": b1, "W2": W2, "b2": b2, "W3": W3, "b3": b3}


def _gcn_layer(h, row, col, norm, W, b, n_nodes):
    # GCNConv: x' = D^{-1/2}(A+I)D^{-1/2} (X W) + b
    xw = h @ W
    msg = jnp.take(xw, row, axis=0) * norm[:, None]
    out = jnp.zeros((n_nodes, xw.shape[1]), dtype=xw.dtype).at[col].add(msg)
    return out + b


def reference(features, edge_index, W1, b1, W2, b2, W3, b3):
    N = features.shape[0]
    src = edge_index[0]
    dst = edge_index[1]
    self_loops = jnp.arange(N, dtype=edge_index.dtype)
    row = jnp.concatenate([src, self_loops])
    col = jnp.concatenate([dst, self_loops])
    deg = jnp.zeros((N,), dtype=jnp.float32).at[col].add(1.0)
    deg_inv_sqrt = jnp.where(deg > 0, jax.lax.rsqrt(deg), 0.0)
    norm = jnp.take(deg_inv_sqrt, row) * jnp.take(deg_inv_sqrt, col)
    # dropout p=0.5 is identity in eval mode
    h = _gcn_layer(features, row, col, norm, W1, b1, N)
    h = jax.nn.relu(h)
    h = _gcn_layer(h, row, col, norm, W2, b2, N)
    h = jax.nn.relu(h)
    h = _gcn_layer(h, row, col, norm, W3, b3, N)
    return h

if __name__ == "__main__":
    import jax
    _d = setup_inputs()
    print(jax.jit(kernel)(*tuple(_d.values())))

</pallas_src>

<mosaic_0001>
#map = affine_map<(d0, d1) -> (0, 0)>
#map1 = affine_map<(d0, d1) -> (0, 0, 0)>
#map2 = affine_map<(d0, d1) -> (0, 0, 0, 0)>
module attributes {stable_mosaic.version = 14 : i64} {
  func.func @_agg_body(%arg0: i32, %arg1: i32, %arg2: memref<10000x128xf32, #tpu.memory_space<hbm>>, %arg3: memref<16x160x128xi32, #tpu.memory_space<hbm>>, %arg4: memref<2x16x160x128xi32, #tpu.memory_space<hbm>>, %arg5: memref<352x128xf32, #tpu.memory_space<hbm>>, %arg6: memref<2x5632x128xf32, #tpu.memory_space<hbm>>, %arg7: memref<160x128xi32, #tpu.memory_space<vmem>>, %arg8: memref<160x128xi32, #tpu.memory_space<vmem>>, %arg9: memref<128x128xf32, #tpu.memory_space<vmem>>, %arg10: memref<128x128xf32, #tpu.memory_space<vmem>>, %arg11: memref<5632x128xf32, #tpu.memory_space<vmem_shared>>, %arg12: memref<!tpu.dma_semaphore, #tpu.memory_space<semaphore_mem>>, %arg13: memref<!tpu.dma_semaphore, #tpu.memory_space<semaphore_mem>>) attributes {dimension_semantics = [#tpu.dimension_semantics<core_parallel>, #tpu.dimension_semantics<subcore_parallel>], iteration_bounds = array<i64: 2, 16>, scalar_prefetch = 0 : i64, scratch_operands = 7 : i64, tpu.core_type = #tpu.core_type<sc_vector_subcore>, window_params = [{transform_indices = #map}, {transform_indices = #map1}, {transform_indices = #map2}, {transform_indices = #map}, {transform_indices = #map1}]} {
    "tpu.region"() ({
      %run_scoped3A = tpu.sem_alloc : memref<!tpu.dma_semaphore, #tpu.memory_space<semaphore_mem>>
      %dma_start3A_33 = arith.constant 0 : i32
      %dma_start3A_34 = arith.constant 0 : i32
      %dma_start3A_35 = tpu.memref_slice %arg3[%arg1, %dma_start3A_33, %dma_start3A_34] : memref<16x160x128xi32, #tpu.memory_space<hbm>> -> memref<1x160x128xi32, #tpu.memory_space<hbm>>
      %dma_start3A_36 = tpu.memref_squeeze %dma_start3A_35 : memref<1x160x128xi32, #tpu.memory_space<hbm>> -> memref<160x128xi32, #tpu.memory_space<hbm>>
      %dma_start3A_37 = arith.constant 0 : i32
      %dma_start3A_38 = arith.constant 0 : i32
      %dma_start3A_39 = tpu.memref_slice %arg3[%arg1, %dma_start3A_37, %dma_start3A_38] : memref<16x160x128xi32, #tpu.memory_space<hbm>> -> memref<1x160x128xi32, #tpu.memory_space<hbm>>
      %dma_start3A_40 = tpu.memref_squeeze %dma_start3A_39 : memref<1x160x128xi32, #tpu.memory_space<hbm>> -> memref<160x128xi32, #tpu.memory_space<hbm>>
      tpu.enqueue_dma source(%dma_start3A_40 : memref<160x128xi32, #tpu.memory_space<hbm>>) target(%arg7 : memref<160x128xi32, #tpu.memory_space<vmem>>) target_semaphore(%run_scoped3A : memref<!tpu.dma_semaphore, #tpu.memory_space<semaphore_mem>>)
      %dma_wait3A = arith.constant 0 : i32
      %dma_wait3A_41 = arith.constant 0 : i32
      %dma_wait3A_42 = tpu.memref_slice %arg3[%arg1, %dma_wait3A, %dma_wait3A_41] : memref<16x160x128xi32, #tpu.memory_space<hbm>> -> memref<1x160x128xi32, #tpu.memory_space<hbm>>
      %dma_wait3A_43 = tpu.memref_squeeze %dma_wait3A_42 : memref<1x160x128xi32, #tpu.memory_space<hbm>> -> memref<160x128xi32, #tpu.memory_space<hbm>>
      %dma_wait3A_44 = arith.constant 0 : i32
      %dma_wait3A_45 = arith.constant 0 : i32
      %dma_wait3A_46 = tpu.memref_slice %arg3[%arg1, %dma_wait3A_44, %dma_wait3A_45] : memref<16x160x128xi32, #tpu.memory_space<hbm>> -> memref<1x160x128xi32, #tpu.memory_space<hbm>>
      %dma_wait3A_47 = tpu.memref_squeeze %dma_wait3A_46 : memref<1x160x128xi32, #tpu.memory_space<hbm>> -> memref<160x128xi32, #tpu.memory_space<hbm>>
      tpu.wait_dma2 semaphore(%run_scoped3A : memref<!tpu.dma_semaphore, #tpu.memory_space<semaphore_mem>>) src(%dma_wait3A_47 : memref<160x128xi32, #tpu.memory_space<hbm>>) dst(%arg7 : memref<160x128xi32, #tpu.memory_space<vmem>>)
      tpu.yield
    }) : () -> ()
    "tpu.region"() ({
      %run_scoped3A = tpu.sem_alloc : memref<!tpu.dma_semaphore, #tpu.memory_space<semaphore_mem>>
      %dma_start3A_33 = arith.constant 0 : i32
      %dma_start3A_34 = arith.constant 0 : i32
      %dma_start3A_35 = tpu.memref_slice %arg4[%arg0, %arg1, %dma_start3A_33, %dma_start3A_34] : memref<2x16x160x128xi32, #tpu.memory_space<hbm>> -> memref<1x1x160x128xi32, #tpu.memory_space<hbm>>
      %dma_start3A_36 = tpu.memref_squeeze %dma_start3A_35 : memref<1x1x160x128xi32, #tpu.memory_space<hbm>> -> memref<160x128xi32, #tpu.memory_space<hbm>>
      %dma_start3A_37 = arith.constant 0 : i32
      %dma_start3A_38 = arith.constant 0 : i32
      %dma_start3A_39 = tpu.memref_slice %arg4[%arg0, %arg1, %dma_start3A_37, %dma_start3A_38] : memref<2x16x160x128xi32, #tpu.memory_space<hbm>> -> memref<1x1x160x128xi32, #tpu.memory_space<hbm>>
      %dma_start3A_40 = tpu.memref_squeeze %dma_start3A_39 : memref<1x1x160x128xi32, #tpu.memory_space<hbm>> -> memref<160x128xi32, #tpu.memory_space<hbm>>
      tpu.enqueue_dma source(%dma_start3A_40 : memref<160x128xi32, #tpu.memory_space<hbm>>) target(%arg8 : memref<160x128xi32, #tpu.memory_space<vmem>>) target_semaphore(%run_scoped3A : memref<!tpu.dma_semaphore, #tpu.memory_space<semaphore_mem>>)
      %dma_wait3A = arith.constant 0 : i32
      %dma_wait3A_41 = arith.constant 0 : i32
      %dma_wait3A_42 = tpu.memref_slice %arg4[%arg0, %arg1, %dma_wait3A, %dma_wait3A_41] : memref<2x16x160x128xi32, #tpu.memory_space<hbm>> -> memref<1x1x160x128xi32, #tpu.memory_space<hbm>>
      %dma_wait3A_43 = tpu.memref_squeeze %dma_wait3A_42 : memref<1x1x160x128xi32, #tpu.memory_space<hbm>> -> memref<160x128xi32, #tpu.memory_space<hbm>>
      %dma_wait3A_44 = arith.constant 0 : i32
      %dma_wait3A_45 = arith.constant 0 : i32
      %dma_wait3A_46 = tpu.memref_slice %arg4[%arg0, %arg1, %dma_wait3A_44, %dma_wait3A_45] : memref<2x16x160x128xi32, #tpu.memory_space<hbm>> -> memref<1x1x160x128xi32, #tpu.memory_space<hbm>>
      %dma_wait3A_47 = tpu.memref_squeeze %dma_wait3A_46 : memref<1x1x160x128xi32, #tpu.memory_space<hbm>> -> memref<160x128xi32, #tpu.memory_space<hbm>>
      tpu.wait_dma2 semaphore(%run_scoped3A : memref<!tpu.dma_semaphore, #tpu.memory_space<semaphore_mem>>) src(%dma_wait3A_47 : memref<160x128xi32, #tpu.memory_space<hbm>>) dst(%arg8 : memref<160x128xi32, #tpu.memory_space<vmem>>)
      tpu.yield
    }) : () -> ()
    %mul3A = arith.constant 352 : i32
    %mul3A_0 = arith.muli %arg1, %mul3A : i32
    "tpu.region"() ({
      %run_scoped3A = tpu.sem_alloc : memref<!tpu.dma_semaphore, #tpu.memory_space<semaphore_mem>>
      %dma_start3A_33 = arith.constant 0 : i32
      %dma_start3A_34 = tpu.memref_slice %arg11[%mul3A_0, %dma_start3A_33] : memref<5632x128xf32, #tpu.memory_space<vmem_shared>> -> memref<352x128xf32, #tpu.memory_space<vmem_shared>>
      tpu.enqueue_dma source(%arg5 : memref<352x128xf32, #tpu.memory_space<hbm>>) target(%dma_start3A_34 : memref<352x128xf32, #tpu.memory_space<vmem_shared>>) target_semaphore(%run_scoped3A : memref<!tpu.dma_semaphore, #tpu.memory_space<semaphore_mem>>)
      %dma_wait3A = arith.constant 0 : i32
      %dma_wait3A_35 = tpu.memref_slice %arg11[%mul3A_0, %dma_wait3A] : memref<5632x128xf32, #tpu.memory_space<vmem_shared>> -> memref<352x128xf32, #tpu.memory_space<vmem_shared>>
      tpu.wait_dma2 semaphore(%run_scoped3A : memref<!tpu.dma_semaphore, #tpu.memory_space<semaphore_mem>>) src(%arg5 : memref<352x128xf32, #tpu.memory_space<hbm>>) dst(%dma_wait3A_35 : memref<352x128xf32, #tpu.memory_space<vmem_shared>>)
      tpu.yield
    }) : () -> ()
    %barrier3A = arith.constant 0 : index
    tpu.barrier barrier_id(%barrier3A)
    %dma_start3A = arith.constant 0 : i32
    %dma_start3A_1 = arith.constant 0 : i32
    %dma_start3A_2 = tpu.memref_slice %arg7[%dma_start3A, %dma_start3A_1] : memref<160x128xi32, #tpu.memory_space<vmem>> -> memref<1x128xi32, #tpu.memory_space<vmem>>
    %dma_start3A_3 = tpu.memref_squeeze %dma_start3A_2 : memref<1x128xi32, #tpu.memory_space<vmem>> -> memref<128xi32, #tpu.memory_space<vmem>>
    %dma_start3A_4 = arith.constant 0 : i32
    %dma_start3A_5 = arith.constant 0 : i32
    %dma_start3A_6 = tpu.memref_slice %arg2[%dma_start3A_4, %dma_start3A_5] : memref<10000x128xf32, #tpu.memory_space<hbm>> -> memref<10000x128xf32, #tpu.memory_space<hbm>>
    tpu.enqueue_indirect_dma source(%dma_start3A_6 : memref<10000x128xf32, #tpu.memory_space<hbm>>) target(%arg9 : memref<128x128xf32, #tpu.memory_space<vmem>>) offsets(%dma_start3A_3 : memref<128xi32, #tpu.memory_space<vmem>>) semaphore(%arg12 : memref<!tpu.dma_semaphore, #tpu.memory_space<semaphore_mem>>)
    %dma_start3A_7 = arith.constant 1 : i32
    %dma_start3A_8 = arith.constant 0 : i32
    %dma_start3A_9 = tpu.memref_slice %arg7[%dma_start3A_7, %dma_start3A_8] : memref<160x128xi32, #tpu.memory_space<vmem>> -> memref<1x128xi32, #tpu.memory_space<vmem>>
    %dma_start3A_10 = tpu.memref_squeeze %dma_start3A_9 : memref<1x128xi32, #tpu.memory_space<vmem>> -> memref<128xi32, #tpu.memory_space<vmem>>
    %dma_start3A_11 = arith.constant 0 : i32
    %dma_start3A_12 = arith.constant 0 : i32
    %dma_start3A_13 = tpu.memref_slice %arg2[%dma_start3A_11, %dma_start3A_12] : memref<10000x128xf32, #tpu.memory_space<hbm>> -> memref<10000x128xf32, #tpu.memory_space<hbm>>
    tpu.enqueue_indirect_dma source(%dma_start3A_13 : memref<10000x128xf32, #tpu.memory_space<hbm>>) target(%arg10 : memref<128x128xf32, #tpu.memory_space<vmem>>) offsets(%dma_start3A_10 : memref<128xi32, #tpu.memory_space<vmem>>) semaphore(%arg13 : memref<!tpu.dma_semaphore, #tpu.memory_space<semaphore_mem>>)
    %scan3A = arith.constant 0 : i32
    %scan3A_14 = arith.constant 0 : i32
    %scan3A_15 = arith.constant 80 : i32
    %scan3A_16 = arith.addi %scan3A_14, %scan3A_15 : i32
    %scan3A_17 = arith.constant 1 : i32
    scf.for %scan3A_33 = %scan3A_14 to %scan3A_16 step %scan3A_17  : i32 {
      %mul3A_34 = arith.constant 2 : i32
      %mul3A_35 = arith.muli %scan3A_33, %mul3A_34 : i32
      %add3A_36 = arith.constant 0 : i32
      %add3A_37 = arith.addi %mul3A_35, %add3A_36 : i32
      %dma_wait3A = arith.constant 0 : i32
      %dma_wait3A_38 = tpu.memref_slice %arg7[%add3A_37, %dma_wait3A] : memref<160x128xi32, #tpu.memory_space<vmem>> -> memref<1x128xi32, #tpu.memory_space<vmem>>
      %dma_wait3A_39 = tpu.memref_squeeze %dma_wait3A_38 : memref<1x128xi32, #tpu.memory_space<vmem>> -> memref<128xi32, #tpu.memory_space<vmem>>
      %dma_wait3A_40 = arith.constant 0 : i32
      %dma_wait3A_41 = arith.constant 0 : i32
      %dma_wait3A_42 = tpu.memref_slice %arg2[%dma_wait3A_40, %dma_wait3A_41] : memref<10000x128xf32, #tpu.memory_space<hbm>> -> memref<10000x128xf32, #tpu.memory_space<hbm>>
      tpu.wait_indirect_dma semaphore(%arg12 : memref<!tpu.dma_semaphore, #tpu.memory_space<semaphore_mem>>) src(%dma_wait3A_42 : memref<10000x128xf32, #tpu.memory_space<hbm>>) dst(%arg9 : memref<128x128xf32, #tpu.memory_space<vmem>>)
      "tpu.region"() ({
        %run_scoped3A = tpu.sem_alloc : memref<!tpu.dma_semaphore, #tpu.memory_space<semaphore_mem>>
        %dma_start3A_62 = arith.constant 0 : i32
        %dma_start3A_63 = tpu.memref_slice %arg8[%add3A_37, %dma_start3A_62] : memref<160x128xi32, #tpu.memory_space<vmem>> -> memref<1x128xi32, #tpu.memory_space<vmem>>
        %dma_start3A_64 = tpu.memref_squeeze %dma_start3A_63 : memref<1x128xi32, #tpu.memory_space<vmem>> -> memref<128xi32, #tpu.memory_space<vmem>>
        %dma_start3A_65 = arith.constant 0 : i32
        %dma_start3A_66 = arith.constant 0 : i32
        %dma_start3A_67 = tpu.memref_slice %arg11[%dma_start3A_65, %dma_start3A_66] : memref<5632x128xf32, #tpu.memory_space<vmem_shared>> -> memref<5632x128xf32, #tpu.memory_space<vmem_shared>>
        tpu.enqueue_indirect_dma source(%arg9 : memref<128x128xf32, #tpu.memory_space<vmem>>) target(%dma_start3A_67 : memref<5632x128xf32, #tpu.memory_space<vmem_shared>>) offsets(%dma_start3A_64 : memref<128xi32, #tpu.memory_space<vmem>>) semaphore(%run_scoped3A : memref<!tpu.dma_semaphore, #tpu.memory_space<semaphore_mem>>) {add = true}
        %dma_wait3A_68 = arith.constant 0 : i32
        %dma_wait3A_69 = tpu.memref_slice %arg8[%add3A_37, %dma_wait3A_68] : memref<160x128xi32, #tpu.memory_space<vmem>> -> memref<1x128xi32, #tpu.memory_space<vmem>>
        %dma_wait3A_70 = tpu.memref_squeeze %dma_wait3A_69 : memref<1x128xi32, #tpu.memory_space<vmem>> -> memref<128xi32, #tpu.memory_space<vmem>>
        %dma_wait3A_71 = arith.constant 0 : i32
        %dma_wait3A_72 = arith.constant 0 : i32
        %dma_wait3A_73 = tpu.memref_slice %arg11[%dma_wait3A_71, %dma_wait3A_72] : memref<5632x128xf32, #tpu.memory_space<vmem_shared>> -> memref<5632x128xf32, #tpu.memory_space<vmem_shared>>
        tpu.wait_indirect_dma semaphore(%run_scoped3A : memref<!tpu.dma_semaphore, #tpu.memory_space<semaphore_mem>>) src(%arg9 : memref<128x128xf32, #tpu.memory_space<vmem>>) dst(%dma_wait3A_73 : memref<5632x128xf32, #tpu.memory_space<vmem_shared>>)
        tpu.yield
      }) : () -> ()
      %add3A_43 = arith.constant 2 : i32
      %add3A_44 = arith.addi %add3A_37, %add3A_43 : i32
      %lt3A = arith.constant 160 : i32
      %lt3A_45 = arith.cmpi slt, %add3A_44, %lt3A : i32
      %convert_element_type3A = arith.extui %lt3A_45 : i1 to i32
      %cond3A = arith.constant 0 : i32
      %cond3A_46 = arith.cmpi ne, %convert_element_type3A, %cond3A : i32
      scf.if %cond3A_46 {
        %add3A_62 = arith.constant 2 : i32
        %add3A_63 = arith.addi %add3A_37, %add3A_62 : i32
        %dma_start3A_64 = arith.constant 0 : i32
        %dma_start3A_65 = tpu.memref_slice %arg7[%add3A_63, %dma_start3A_64] : memref<160x128xi32, #tpu.memory_space<vmem>> -> memref<1x128xi32, #tpu.memory_space<vmem>>
        %dma_start3A_66 = tpu.memref_squeeze %dma_start3A_65 : memref<1x128xi32, #tpu.memory_space<vmem>> -> memref<128xi32, #tpu.memory_space<vmem>>
        %dma_start3A_67 = arith.constant 0 : i32
        %dma_start3A_68 = arith.constant 0 : i32
        %dma_start3A_69 = tpu.memref_slice %arg2[%dma_start3A_67, %dma_start3A_68] : memref<10000x128xf32, #tpu.memory_space<hbm>> -> memref<10000x128xf32, #tpu.memory_space<hbm>>
        tpu.enqueue_indirect_dma source(%dma_start3A_69 : memref<10000x128xf32, #tpu.memory_space<hbm>>) target(%arg9 : memref<128x128xf32, #tpu.memory_space<vmem>>) offsets(%dma_start3A_66 : memref<128xi32, #tpu.memory_space<vmem>>) semaphore(%arg12 : memref<!tpu.dma_semaphore, #tpu.memory_space<semaphore_mem>>)
      } else {
      }
      %add3A_47 = arith.constant 1 : i32
      %add3A_48 = arith.addi %mul3A_35, %add3A_47 : i32
      %dma_wait3A_49 = arith.constant 0 : i32
      %dma_wait3A_50 = tpu.memref_slice %arg7[%add3A_48, %dma_wait3A_49] : memref<160x128xi32, #tpu.memory_space<vmem>> -> memref<1x128xi32, #tpu.memory_space<vmem>>
      %dma_wait3A_51 = tpu.memref_squeeze %dma_wait3A_50 : memref<1x128xi32, #tpu.memory_space<vmem>> -> memref<128xi32, #tpu.memory_space<vmem>>
      %dma_wait3A_52 = arith.constant 0 : i32
      %dma_wait3A_53 = arith.constant 0 : i32
      %dma_wait3A_54 = tpu.memref_slice %arg2[%dma_wait3A_52, %dma_wait3A_53] : memref<10000x128xf32, #tpu.memory_space<hbm>> -> memref<10000x128xf32, #tpu.memory_space<hbm>>
      tpu.wait_indirect_dma semaphore(%arg13 : memref<!tpu.dma_semaphore, #tpu.memory_space<semaphore_mem>>) src(%dma_wait3A_54 : memref<10000x128xf32, #tpu.memory_space<hbm>>) dst(%arg10 : memref<128x128xf32, #tpu.memory_space<vmem>>)
      "tpu.region"() ({
        %run_scoped3A = tpu.sem_alloc : memref<!tpu.dma_semaphore, #tpu.memory_space<semaphore_mem>>
        %dma_start3A_62 = arith.constant 0 : i32
        %dma_start3A_63 = tpu.memref_slice %arg8[%add3A_48, %dma_start3A_62] : memref<160x128xi32, #tpu.memory_space<vmem>> -> memref<1x128xi32, #tpu.memory_space<vmem>>
        %dma_start3A_64 = tpu.memref_squeeze %dma_start3A_63 : memref<1x128xi32, #tpu.memory_space<vmem>> -> memref<128xi32, #tpu.memory_space<vmem>>
        %dma_start3A_65 = arith.constant 0 : i32
        %dma_start3A_66 = arith.constant 0 : i32
        %dma_start3A_67 = tpu.memref_slice %arg11[%dma_start3A_65, %dma_start3A_66] : memref<5632x128xf32, #tpu.memory_space<vmem_shared>> -> memref<5632x128xf32, #tpu.memory_space<vmem_shared>>
        tpu.enqueue_indirect_dma source(%arg10 : memref<128x128xf32, #tpu.memory_space<vmem>>) target(%dma_start3A_67 : memref<5632x128xf32, #tpu.memory_space<vmem_shared>>) offsets(%dma_start3A_64 : memref<128xi32, #tpu.memory_space<vmem>>) semaphore(%run_scoped3A : memref<!tpu.dma_semaphore, #tpu.memory_space<semaphore_mem>>) {add = true}
        %dma_wait3A_68 = arith.constant 0 : i32
        %dma_wait3A_69 = tpu.memref_slice %arg8[%add3A_48, %dma_wait3A_68] : memref<160x128xi32, #tpu.memory_space<vmem>> -> memref<1x128xi32, #tpu.memory_space<vmem>>
        %dma_wait3A_70 = tpu.memref_squeeze %dma_wait3A_69 : memref<1x128xi32, #tpu.memory_space<vmem>> -> memref<128xi32, #tpu.memory_space<vmem>>
        %dma_wait3A_71 = arith.constant 0 : i32
        %dma_wait3A_72 = arith.constant 0 : i32
        %dma_wait3A_73 = tpu.memref_slice %arg11[%dma_wait3A_71, %dma_wait3A_72] : memref<5632x128xf32, #tpu.memory_space<vmem_shared>> -> memref<5632x128xf32, #tpu.memory_space<vmem_shared>>
        tpu.wait_indirect_dma semaphore(%run_scoped3A : memref<!tpu.dma_semaphore, #tpu.memory_space<semaphore_mem>>) src(%arg10 : memref<128x128xf32, #tpu.memory_space<vmem>>) dst(%dma_wait3A_73 : memref<5632x128xf32, #tpu.memory_space<vmem_shared>>)
        tpu.yield
      }) : () -> ()
      %add3A_55 = arith.constant 2 : i32
      %add3A_56 = arith.addi %add3A_48, %add3A_55 : i32
      %lt3A_57 = arith.constant 160 : i32
      %lt3A_58 = arith.cmpi slt, %add3A_56, %lt3A_57 : i32
      %convert_element_type3A_59 = arith.extui %lt3A_58 : i1 to i32
      %cond3A_60 = arith.constant 0 : i32
      %cond3A_61 = arith.cmpi ne, %convert_element_type3A_59, %cond3A_60 : i32
      scf.if %cond3A_61 {
        %add3A_62 = arith.constant 2 : i32
        %add3A_63 = arith.addi %add3A_48, %add3A_62 : i32
        %dma_start3A_64 = arith.constant 0 : i32
        %dma_start3A_65 = tpu.memref_slice %arg7[%add3A_63, %dma_start3A_64] : memref<160x128xi32, #tpu.memory_space<vmem>> -> memref<1x128xi32, #tpu.memory_space<vmem>>
        %dma_start3A_66 = tpu.memref_squeeze %dma_start3A_65 : memref<1x128xi32, #tpu.memory_space<vmem>> -> memref<128xi32, #tpu.memory_space<vmem>>
        %dma_start3A_67 = arith.constant 0 : i32
        %dma_start3A_68 = arith.constant 0 : i32
        %dma_start3A_69 = tpu.memref_slice %arg2[%dma_start3A_67, %dma_start3A_68] : memref<10000x128xf32, #tpu.memory_space<hbm>> -> memref<10000x128xf32, #tpu.memory_space<hbm>>
        tpu.enqueue_indirect_dma source(%dma_start3A_69 : memref<10000x128xf32, #tpu.memory_space<hbm>>) target(%arg10 : memref<128x128xf32, #tpu.memory_space<vmem>>) offsets(%dma_start3A_66 : memref<128xi32, #tpu.memory_space<vmem>>) semaphore(%arg13 : memref<!tpu.dma_semaphore, #tpu.memory_space<semaphore_mem>>)
      } else {
      }
    }
    %scan3A_18 = arith.constant 80 : i32
    %barrier3A_19 = arith.constant 0 : index
    tpu.barrier barrier_id(%barrier3A_19)
    %mul3A_20 = arith.constant 352 : i32
    %mul3A_21 = arith.muli %arg1, %mul3A_20 : i32
    %add3A = arith.constant 0 : i32
    %add3A_22 = arith.addi %mul3A_21, %add3A : i32
    "tpu.region"() ({
      %run_scoped3A = tpu.sem_alloc : memref<!tpu.dma_semaphore, #tpu.memory_space<semaphore_mem>>
      %dma_start3A_33 = arith.constant 0 : i32
      %dma_start3A_34 = arith.constant 0 : i32
      %dma_start3A_35 = tpu.memref_slice %arg9[%dma_start3A_33, %dma_start3A_34] : memref<128x128xf32, #tpu.memory_space<vmem>> -> memref<128x128xf32, #tpu.memory_space<vmem>>
      %dma_start3A_36 = arith.constant 0 : i32
      %dma_start3A_37 = tpu.memref_slice %arg11[%add3A_22, %dma_start3A_36] : memref<5632x128xf32, #tpu.memory_space<vmem_shared>> -> memref<128x128xf32, #tpu.memory_space<vmem_shared>>
      %dma_start3A_38 = arith.constant 0 : i32
      %dma_start3A_39 = arith.constant 0 : i32
      %dma_start3A_40 = tpu.memref_slice %arg9[%dma_start3A_38, %dma_start3A_39] : memref<128x128xf32, #tpu.memory_space<vmem>> -> memref<128x128xf32, #tpu.memory_space<vmem>>
      %dma_start3A_41 = arith.constant 0 : i32
      %dma_start3A_42 = tpu.memref_slice %arg11[%add3A_22, %dma_start3A_41] : memref<5632x128xf32, #tpu.memory_space<vmem_shared>> -> memref<128x128xf32, #tpu.memory_space<vmem_shared>>
      tpu.enqueue_dma source(%dma_start3A_42 : memref<128x128xf32, #tpu.memory_space<vmem_shared>>) target(%dma_start3A_40 : memref<128x128xf32, #tpu.memory_space<vmem>>) target_semaphore(%run_scoped3A : memref<!tpu.dma_semaphore, #tpu.memory_space<semaphore_mem>>)
      %dma_wait3A = arith.constant 0 : i32
      %dma_wait3A_43 = arith.constant 0 : i32
      %dma_wait3A_44 = tpu.memref_slice %arg9[%dma_wait3A, %dma_wait3A_43] : memref<128x128xf32, #tpu.memory_space<vmem>> -> memref<128x128xf32, #tpu.memory_space<vmem>>
      %dma_wait3A_45 = arith.constant 0 : i32
      %dma_wait3A_46 = tpu.memref_slice %arg11[%add3A_22, %dma_wait3A_45] : memref<5632x128xf32, #tpu.memory_space<vmem_shared>> -> memref<128x128xf32, #tpu.memory_space<vmem_shared>>
      %dma_wait3A_47 = arith.constant 0 : i32
      %dma_wait3A_48 = arith.constant 0 : i32
      %dma_wait3A_49 = tpu.memref_slice %arg9[%dma_wait3A_47, %dma_wait3A_48] : memref<128x128xf32, #tpu.memory_space<vmem>> -> memref<128x128xf32, #tpu.memory_space<vmem>>
      %dma_wait3A_50 = arith.constant 0 : i32
      %dma_wait3A_51 = tpu.memref_slice %arg11[%add3A_22, %dma_wait3A_50] : memref<5632x128xf32, #tpu.memory_space<vmem_shared>> -> memref<128x128xf32, #tpu.memory_space<vmem_shared>>
      tpu.wait_dma2 semaphore(%run_scoped3A : memref<!tpu.dma_semaphore, #tpu.memory_space<semaphore_mem>>) src(%dma_wait3A_51 : memref<128x128xf32, #tpu.memory_space<vmem_shared>>) dst(%dma_wait3A_49 : memref<128x128xf32, #tpu.memory_space<vmem>>)
      tpu.yield
    }) : () -> ()
    %add3A_23 = arith.constant 0 : i32
    %add3A_24 = arith.addi %mul3A_21, %add3A_23 : i32
    "tpu.region"() ({
      %run_scoped3A = tpu.sem_alloc : memref<!tpu.dma_semaphore, #tpu.memory_space<semaphore_mem>>
      %dma_start3A_33 = arith.constant 0 : i32
      %dma_start3A_34 = arith.constant 0 : i32
      %dma_start3A_35 = tpu.memref_slice %arg9[%dma_start3A_33, %dma_start3A_34] : memref<128x128xf32, #tpu.memory_space<vmem>> -> memref<128x128xf32, #tpu.memory_space<vmem>>
      %dma_start3A_36 = arith.constant 0 : i32
      %dma_start3A_37 = tpu.memref_slice %arg6[%arg0, %add3A_24, %dma_start3A_36] : memref<2x5632x128xf32, #tpu.memory_space<hbm>> -> memref<1x128x128xf32, #tpu.memory_space<hbm>>
      %dma_start3A_38 = tpu.memref_squeeze %dma_start3A_37 : memref<1x128x128xf32, #tpu.memory_space<hbm>> -> memref<128x128xf32, #tpu.memory_space<hbm>>
      %dma_start3A_39 = arith.constant 0 : i32
      %dma_start3A_40 = tpu.memref_slice %arg6[%arg0, %add3A_24, %dma_start3A_39] : memref<2x5632x128xf32, #tpu.memory_space<hbm>> -> memref<1x128x128xf32, #tpu.memory_space<hbm>>
      %dma_start3A_41 = tpu.memref_squeeze %dma_start3A_40 : memref<1x128x128xf32, #tpu.memory_space<hbm>> -> memref<128x128xf32, #tpu.memory_space<hbm>>
      %dma_start3A_42 = arith.constant 0 : i32
      %dma_start3A_43 = arith.constant 0 : i32
      %dma_start3A_44 = tpu.memref_slice %arg9[%dma_start3A_42, %dma_start3A_43] : memref<128x128xf32, #tpu.memory_space<vmem>> -> memref<128x128xf32, #tpu.memory_space<vmem>>
      tpu.enqueue_dma source(%dma_start3A_44 : memref<128x128xf32, #tpu.memory_space<vmem>>) target(%dma_start3A_41 : memref<128x128xf32, #tpu.memory_space<hbm>>) target_semaphore(%run_scoped3A : memref<!tpu.dma_semaphore, #tpu.memory_space<semaphore_mem>>)
      %dma_wait3A = arith.constant 0 : i32
      %dma_wait3A_45 = arith.constant 0 : i32
      %dma_wait3A_46 = tpu.memref_slice %arg9[%dma_wait3A, %dma_wait3A_45] : memref<128x128xf32, #tpu.memory_space<vmem>> -> memref<128x128xf32, #tpu.memory_space<vmem>>
      %dma_wait3A_47 = arith.constant 0 : i32
      %dma_wait3A_48 = tpu.memref_slice %arg6[%arg0, %add3A_24, %dma_wait3A_47] : memref<2x5632x128xf32, #tpu.memory_space<hbm>> -> memref<1x128x128xf32, #tpu.memory_space<hbm>>
      %dma_wait3A_49 = tpu.memref_squeeze %dma_wait3A_48 : memref<1x128x128xf32, #tpu.memory_space<hbm>> -> memref<128x128xf32, #tpu.memory_space<hbm>>
      %dma_wait3A_50 = arith.constant 0 : i32
      %dma_wait3A_51 = tpu.memref_slice %arg6[%arg0, %add3A_24, %dma_wait3A_50] : memref<2x5632x128xf32, #tpu.memory_space<hbm>> -> memref<1x128x128xf32, #tpu.memory_space<hbm>>
      %dma_wait3A_52 = tpu.memref_squeeze %dma_wait3A_51 : memref<1x128x128xf32, #tpu.memory_space<hbm>> -> memref<128x128xf32, #tpu.memory_space<hbm>>
      %dma_wait3A_53 = arith.constant 0 : i32
      %dma_wait3A_54 = arith.constant 0 : i32
      %dma_wait3A_55 = tpu.memref_slice %arg9[%dma_wait3A_53, %dma_wait3A_54] : memref<128x128xf32, #tpu.memory_space<vmem>> -> memref<128x128xf32, #tpu.memory_space<vmem>>
      tpu.wait_dma2 semaphore(%run_scoped3A : memref<!tpu.dma_semaphore, #tpu.memory_space<semaphore_mem>>) src(%dma_wait3A_55 : memref<128x128xf32, #tpu.memory_space<vmem>>) dst(%dma_wait3A_52 : memref<128x128xf32, #tpu.memory_space<hbm>>)
      tpu.yield
    }) : () -> ()
    %add3A_25 = arith.constant 128 : i32
    %add3A_26 = arith.addi %mul3A_21, %add3A_25 : i32
    "tpu.region"() ({
      %run_scoped3A = tpu.sem_alloc : memref<!tpu.dma_semaphore, #tpu.memory_space<semaphore_mem>>
      %dma_start3A_33 = arith.constant 0 : i32
      %dma_start3A_34 = arith.constant 0 : i32
      %dma_start3A_35 = tpu.memref_slice %arg9[%dma_start3A_33, %dma_start3A_34] : memref<128x128xf32, #tpu.memory_space<vmem>> -> memref<128x128xf32, #tpu.memory_space<vmem>>
      %dma_start3A_36 = arith.constant 0 : i32
      %dma_start3A_37 = tpu.memref_slice %arg11[%add3A_26, %dma_start3A_36] : memref<5632x128xf32, #tpu.memory_space<vmem_shared>> -> memref<128x128xf32, #tpu.memory_space<vmem_shared>>
      %dma_start3A_38 = arith.constant 0 : i32
      %dma_start3A_39 = arith.constant 0 : i32
      %dma_start3A_40 = tpu.memref_slice %arg9[%dma_start3A_38, %dma_start3A_39] : memref<128x128xf32, #tpu.memory_space<vmem>> -> memref<128x128xf32, #tpu.memory_space<vmem>>
      %dma_start3A_41 = arith.constant 0 : i32
      %dma_start3A_42 = tpu.memref_slice %arg11[%add3A_26, %dma_start3A_41] : memref<5632x128xf32, #tpu.memory_space<vmem_shared>> -> memref<128x128xf32, #tpu.memory_space<vmem_shared>>
      tpu.enqueue_dma source(%dma_start3A_42 : memref<128x128xf32, #tpu.memory_space<vmem_shared>>) target(%dma_start3A_40 : memref<128x128xf32, #tpu.memory_space<vmem>>) target_semaphore(%run_scoped3A : memref<!tpu.dma_semaphore, #tpu.memory_space<semaphore_mem>>)
      %dma_wait3A = arith.constant 0 : i32
      %dma_wait3A_43 = arith.constant 0 : i32
      %dma_wait3A_44 = tpu.memref_slice %arg9[%dma_wait3A, %dma_wait3A_43] : memref<128x128xf32, #tpu.memory_space<vmem>> -> memref<128x128xf32, #tpu.memory_space<vmem>>
      %dma_wait3A_45 = arith.constant 0 : i32
      %dma_wait3A_46 = tpu.memref_slice %arg11[%add3A_26, %dma_wait3A_45] : memref<5632x128xf32, #tpu.memory_space<vmem_shared>> -> memref<128x128xf32, #tpu.memory_space<vmem_shared>>
      %dma_wait3A_47 = arith.constant 0 : i32
      %dma_wait3A_48 = arith.constant 0 : i32
      %dma_wait3A_49 = tpu.memref_slice %arg9[%dma_wait3A_47, %dma_wait3A_48] : memref<128x128xf32, #tpu.memory_space<vmem>> -> memref<128x128xf32, #tpu.memory_space<vmem>>
      %dma_wait3A_50 = arith.constant 0 : i32
      %dma_wait3A_51 = tpu.memref_slice %arg11[%add3A_26, %dma_wait3A_50] : memref<5632x128xf32, #tpu.memory_space<vmem_shared>> -> memref<128x128xf32, #tpu.memory_space<vmem_shared>>
      tpu.wait_dma2 semaphore(%run_scoped3A : memref<!tpu.dma_semaphore, #tpu.memory_space<semaphore_mem>>) src(%dma_wait3A_51 : memref<128x128xf32, #tpu.memory_space<vmem_shared>>) dst(%dma_wait3A_49 : memref<128x128xf32, #tpu.memory_space<vmem>>)
      tpu.yield
    }) : () -> ()
    %add3A_27 = arith.constant 128 : i32
    %add3A_28 = arith.addi %mul3A_21, %add3A_27 : i32
    "tpu.region"() ({
      %run_scoped3A = tpu.sem_alloc : memref<!tpu.dma_semaphore, #tpu.memory_space<semaphore_mem>>
      %dma_start3A_33 = arith.constant 0 : i32
      %dma_start3A_34 = arith.constant 0 : i32
      %dma_start3A_35 = tpu.memref_slice %arg9[%dma_start3A_33, %dma_start3A_34] : memref<128x128xf32, #tpu.memory_space<vmem>> -> memref<128x128xf32, #tpu.memory_space<vmem>>
      %dma_start3A_36 = arith.constant 0 : i32
      %dma_start3A_37 = tpu.memref_slice %arg6[%arg0, %add3A_28, %dma_start3A_36] : memref<2x5632x128xf32, #tpu.memory_space<hbm>> -> memref<1x128x128xf32, #tpu.memory_space<hbm>>
      %dma_start3A_38 = tpu.memref_squeeze %dma_start3A_37 : memref<1x128x128xf32, #tpu.memory_space<hbm>> -> memref<128x128xf32, #tpu.memory_space<hbm>>
      %dma_start3A_39 = arith.constant 0 : i32
      %dma_start3A_40 = tpu.memref_slice %arg6[%arg0, %add3A_28, %dma_start3A_39] : memref<2x5632x128xf32, #tpu.memory_space<hbm>> -> memref<1x128x128xf32, #tpu.memory_space<hbm>>
      %dma_start3A_41 = tpu.memref_squeeze %dma_start3A_40 : memref<1x128x128xf32, #tpu.memory_space<hbm>> -> memref<128x128xf32, #tpu.memory_space<hbm>>
      %dma_start3A_42 = arith.constant 0 : i32
      %dma_start3A_43 = arith.constant 0 : i32
      %dma_start3A_44 = tpu.memref_slice %arg9[%dma_start3A_42, %dma_start3A_43] : memref<128x128xf32, #tpu.memory_space<vmem>> -> memref<128x128xf32, #tpu.memory_space<vmem>>
      tpu.enqueue_dma source(%dma_start3A_44 : memref<128x128xf32, #tpu.memory_space<vmem>>) target(%dma_start3A_41 : memref<128x128xf32, #tpu.memory_space<hbm>>) target_semaphore(%run_scoped3A : memref<!tpu.dma_semaphore, #tpu.memory_space<semaphore_mem>>)
      %dma_wait3A = arith.constant 0 : i32
      %dma_wait3A_45 = arith.constant 0 : i32
      %dma_wait3A_46 = tpu.memref_slice %arg9[%dma_wait3A, %dma_wait3A_45] : memref<128x128xf32, #tpu.memory_space<vmem>> -> memref<128x128xf32, #tpu.memory_space<vmem>>
      %dma_wait3A_47 = arith.constant 0 : i32
      %dma_wait3A_48 = tpu.memref_slice %arg6[%arg0, %add3A_28, %dma_wait3A_47] : memref<2x5632x128xf32, #tpu.memory_space<hbm>> -> memref<1x128x128xf32, #tpu.memory_space<hbm>>
      %dma_wait3A_49 = tpu.memref_squeeze %dma_wait3A_48 : memref<1x128x128xf32, #tpu.memory_space<hbm>> -> memref<128x128xf32, #tpu.memory_space<hbm>>
      %dma_wait3A_50 = arith.constant 0 : i32
      %dma_wait3A_51 = tpu.memref_slice %arg6[%arg0, %add3A_28, %dma_wait3A_50] : memref<2x5632x128xf32, #tpu.memory_space<hbm>> -> memref<1x128x128xf32, #tpu.memory_space<hbm>>
      %dma_wait3A_52 = tpu.memref_squeeze %dma_wait3A_51 : memref<1x128x128xf32, #tpu.memory_space<hbm>> -> memref<128x128xf32, #tpu.memory_space<hbm>>
      %dma_wait3A_53 = arith.constant 0 : i32
      %dma_wait3A_54 = arith.constant 0 : i32
      %dma_wait3A_55 = tpu.memref_slice %arg9[%dma_wait3A_53, %dma_wait3A_54] : memref<128x128xf32, #tpu.memory_space<vmem>> -> memref<128x128xf32, #tpu.memory_space<vmem>>
      tpu.wait_dma2 semaphore(%run_scoped3A : memref<!tpu.dma_semaphore, #tpu.memory_space<semaphore_mem>>) src(%dma_wait3A_55 : memref<128x128xf32, #tpu.memory_space<vmem>>) dst(%dma_wait3A_52 : memref<128x128xf32, #tpu.memory_space<hbm>>)
      tpu.yield
    }) : () -> ()
    %add3A_29 = arith.constant 256 : i32
    %add3A_30 = arith.addi %mul3A_21, %add3A_29 : i32
    "tpu.region"() ({
      %run_scoped3A = tpu.sem_alloc : memref<!tpu.dma_semaphore, #tpu.memory_space<semaphore_mem>>
      %dma_start3A_33 = arith.constant 0 : i32
      %dma_start3A_34 = arith.constant 0 : i32
      %dma_start3A_35 = tpu.memref_slice %arg9[%dma_start3A_33, %dma_start3A_34] : memref<128x128xf32, #tpu.memory_space<vmem>> -> memref<96x128xf32, #tpu.memory_space<vmem>>
      %dma_start3A_36 = arith.constant 0 : i32
      %dma_start3A_37 = tpu.memref_slice %arg11[%add3A_30, %dma_start3A_36] : memref<5632x128xf32, #tpu.memory_space<vmem_shared>> -> memref<96x128xf32, #tpu.memory_space<vmem_shared>>
      %dma_start3A_38 = arith.constant 0 : i32
      %dma_start3A_39 = arith.constant 0 : i32
      %dma_start3A_40 = tpu.memref_slice %arg9[%dma_start3A_38, %dma_start3A_39] : memref<128x128xf32, #tpu.memory_space<vmem>> -> memref<96x128xf32, #tpu.memory_space<vmem>>
      %dma_start3A_41 = arith.constant 0 : i32
      %dma_start3A_42 = tpu.memref_slice %arg11[%add3A_30, %dma_start3A_41] : memref<5632x128xf32, #tpu.memory_space<vmem_shared>> -> memref<96x128xf32, #tpu.memory_space<vmem_shared>>
      tpu.enqueue_dma source(%dma_start3A_42 : memref<96x128xf32, #tpu.memory_space<vmem_shared>>) target(%dma_start3A_40 : memref<96x128xf32, #tpu.memory_space<vmem>>) target_semaphore(%run_scoped3A : memref<!tpu.dma_semaphore, #tpu.memory_space<semaphore_mem>>)
      %dma_wait3A = arith.constant 0 : i32
      %dma_wait3A_43 = arith.constant 0 : i32
      %dma_wait3A_44 = tpu.memref_slice %arg9[%dma_wait3A, %dma_wait3A_43] : memref<128x128xf32, #tpu.memory_space<vmem>> -> memref<96x128xf32, #tpu.memory_space<vmem>>
      %dma_wait3A_45 = arith.constant 0 : i32
      %dma_wait3A_46 = tpu.memref_slice %arg11[%add3A_30, %dma_wait3A_45] : memref<5632x128xf32, #tpu.memory_space<vmem_shared>> -> memref<96x128xf32, #tpu.memory_space<vmem_shared>>
      %dma_wait3A_47 = arith.constant 0 : i32
      %dma_wait3A_48 = arith.constant 0 : i32
      %dma_wait3A_49 = tpu.memref_slice %arg9[%dma_wait3A_47, %dma_wait3A_48] : memref<128x128xf32, #tpu.memory_space<vmem>> -> memref<96x128xf32, #tpu.memory_space<vmem>>
      %dma_wait3A_50 = arith.constant 0 : i32
      %dma_wait3A_51 = tpu.memref_slice %arg11[%add3A_30, %dma_wait3A_50] : memref<5632x128xf32, #tpu.memory_space<vmem_shared>> -> memref<96x128xf32, #tpu.memory_space<vmem_shared>>
      tpu.wait_dma2 semaphore(%run_scoped3A : memref<!tpu.dma_semaphore, #tpu.memory_space<semaphore_mem>>) src(%dma_wait3A_51 : memref<96x128xf32, #tpu.memory_space<vmem_shared>>) dst(%dma_wait3A_49 : memref<96x128xf32, #tpu.memory_space<vmem>>)
      tpu.yield
    }) : () -> ()
    %add3A_31 = arith.constant 256 : i32
    %add3A_32 = arith.addi %mul3A_21, %add3A_31 : i32
    "tpu.region"() ({
      %run_scoped3A = tpu.sem_alloc : memref<!tpu.dma_semaphore, #tpu.memory_space<semaphore_mem>>
      %dma_start3A_33 = arith.constant 0 : i32
      %dma_start3A_34 = arith.constant 0 : i32
      %dma_start3A_35 = tpu.memref_slice %arg9[%dma_start3A_33, %dma_start3A_34] : memref<128x128xf32, #tpu.memory_space<vmem>> -> memref<96x128xf32, #tpu.memory_space<vmem>>
      %dma_start3A_36 = arith.constant 0 : i32
      %dma_start3A_37 = tpu.memref_slice %arg6[%arg0, %add3A_32, %dma_start3A_36] : memref<2x5632x128xf32, #tpu.memory_space<hbm>> -> memref<1x96x128xf32, #tpu.memory_space<hbm>>
      %dma_start3A_38 = tpu.memref_squeeze %dma_start3A_37 : memref<1x96x128xf32, #tpu.memory_space<hbm>> -> memref<96x128xf32, #tpu.memory_space<hbm>>
      %dma_start3A_39 = arith.constant 0 : i32
      %dma_start3A_40 = tpu.memref_slice %arg6[%arg0, %add3A_32, %dma_start3A_39] : memref<2x5632x128xf32, #tpu.memory_space<hbm>> -> memref<1x96x128xf32, #tpu.memory_space<hbm>>
      %dma_start3A_41 = tpu.memref_squeeze %dma_start3A_40 : memref<1x96x128xf32, #tpu.memory_space<hbm>> -> memref<96x128xf32, #tpu.memory_space<hbm>>
      %dma_start3A_42 = arith.constant 0 : i32
      %dma_start3A_43 = arith.constant 0 : i32
      %dma_start3A_44 = tpu.memref_slice %arg9[%dma_start3A_42, %dma_start3A_43] : memref<128x128xf32, #tpu.memory_space<vmem>> -> memref<96x128xf32, #tpu.memory_space<vmem>>
      tpu.enqueue_dma source(%dma_start3A_44 : memref<96x128xf32, #tpu.memory_space<vmem>>) target(%dma_start3A_41 : memref<96x128xf32, #tpu.memory_space<hbm>>) target_semaphore(%run_scoped3A : memref<!tpu.dma_semaphore, #tpu.memory_space<semaphore_mem>>)
      %dma_wait3A = arith.constant 0 : i32
      %dma_wait3A_45 = arith.constant 0 : i32
      %dma_wait3A_46 = tpu.memref_slice %arg9[%dma_wait3A, %dma_wait3A_45] : memref<128x128xf32, #tpu.memory_space<vmem>> -> memref<96x128xf32, #tpu.memory_space<vmem>>
      %dma_wait3A_47 = arith.constant 0 : i32
      %dma_wait3A_48 = tpu.memref_slice %arg6[%arg0, %add3A_32, %dma_wait3A_47] : memref<2x5632x128xf32, #tpu.memory_space<hbm>> -> memref<1x96x128xf32, #tpu.memory_space<hbm>>
      %dma_wait3A_49 = tpu.memref_squeeze %dma_wait3A_48 : memref<1x96x128xf32, #tpu.memory_space<hbm>> -> memref<96x128xf32, #tpu.memory_space<hbm>>
      %dma_wait3A_50 = arith.constant 0 : i32
      %dma_wait3A_51 = tpu.memref_slice %arg6[%arg0, %add3A_32, %dma_wait3A_50] : memref<2x5632x128xf32, #tpu.memory_space<hbm>> -> memref<1x96x128xf32, #tpu.memory_space<hbm>>
      %dma_wait3A_52 = tpu.memref_squeeze %dma_wait3A_51 : memref<1x96x128xf32, #tpu.memory_space<hbm>> -> memref<96x128xf32, #tpu.memory_space<hbm>>
      %dma_wait3A_53 = arith.constant 0 : i32
      %dma_wait3A_54 = arith.constant 0 : i32
      %dma_wait3A_55 = tpu.memref_slice %arg9[%dma_wait3A_53, %dma_wait3A_54] : memref<128x128xf32, #tpu.memory_space<vmem>> -> memref<96x128xf32, #tpu.memory_space<vmem>>
      tpu.wait_dma2 semaphore(%run_scoped3A : memref<!tpu.dma_semaphore, #tpu.memory_space<semaphore_mem>>) src(%dma_wait3A_55 : memref<96x128xf32, #tpu.memory_space<vmem>>) dst(%dma_wait3A_52 : memref<96x128xf32, #tpu.memory_space<hbm>>)
      tpu.yield
    }) : () -> ()
    return
  }
}

module attributes {stable_mosaic.version = 14 : i64} {
  func.func @_tc_step_body(%arg0: i32, %arg1: memref<1000x128xf32, #tpu.memory_space<vmem>>, %arg2: memref<1000x128xf32, #tpu.memory_space<vmem>>, %arg3: memref<1000x1xf32, #tpu.memory_space<vmem>>, %arg4: memref<1000x128xf32, #tpu.memory_space<vmem>>, %arg5: memref<1x1xf32, #tpu.memory_space<smem>>, %arg6: memref<1x128xf32, #tpu.memory_space<vmem>>, %arg7: memref<128x128xf32, #tpu.memory_space<vmem>>, %arg8: memref<1000x128xf32, #tpu.memory_space<vmem>>, %arg9: memref<1000x1xf32, #tpu.memory_space<vmem>>, %arg10: memref<1000x128xf32, #tpu.memory_space<vmem>>) attributes {dimension_semantics = [#tpu.dimension_semantics<arbitrary>], iteration_bounds = array<i64: 10>, scalar_prefetch = 0 : i64, scratch_operands = 0 : i64, tpu.core_type = #tpu.core_type<tc>, window_params = [{transform_indices = @transform_0, window_bounds = array<i64: 1000, 128>}, {transform_indices = @transform_1, window_bounds = array<i64: 1000, 128>}, {transform_indices = @transform_2, window_bounds = array<i64: 1000, 1>}, {transform_indices = @transform_3, window_bounds = array<i64: 1000, 128>}, {transform_indices = @transform_4, window_bounds = array<i64: 1, 1>}, {pipeline_mode = #tpu.pipeline_mode<synchronous>, transform_indices = @transform_5, window_bounds = array<i64: 1, 128>}, {pipeline_mode = #tpu.pipeline_mode<synchronous>, transform_indices = @transform_6, window_bounds = array<i64: 128, 128>}, {transform_indices = @transform_7, window_bounds = array<i64: 1000, 128>}, {transform_indices = @transform_8, window_bounds = array<i64: 1000, 1>}, {transform_indices = @transform_9, window_bounds = array<i64: 1000, 128>}]} {
    %get3A = arith.constant 0 : index
    %get3A_0 = arith.constant 0 : index
    %get3A_1 = memref.load %arg5[%get3A, %get3A_0] : memref<1x1xf32, #tpu.memory_space<smem>>
    %eq3A = arith.constant 0.000000e+00 : f32
    %eq3A_2 = arith.cmpf oeq, %get3A_1, %eq3A : f32
    %get3A_3 = arith.constant 0 : index
    %get3A_4 = arith.constant 0 : index
    %get3A_5 = vector.load %arg1[%get3A_3, %get3A_4] : memref<1000x128xf32, #tpu.memory_space<vmem>>, vector<1000x128xf32>
    %slice3A = vector.extract_strided_slice %get3A_5 {offsets = [0, 0], sizes = [1000, 1], strides = [1, 1]} : vector<1000x128xf32> to vector<1000x1xf32>
    %add3A = arith.constant 1.000000e+00 : f32
    %add3A_6 = vector.broadcast %add3A : f32 to vector<1000x1xf32>
    %add3A_7 = arith.addf %slice3A, %add3A_6 : vector<1000x1xf32>
    %gt3A = arith.constant 0.000000e+00 : f32
    %gt3A_8 = vector.broadcast %gt3A : f32 to vector<1000x1xf32>
    %gt3A_9 = arith.cmpf ogt, %add3A_7, %gt3A_8 : vector<1000x1xf32>
    %rsqrt3A = math.rsqrt %add3A_7 : vector<1000x1xf32>
    %jit3A = arith.constant 0.000000e+00 : f32
    %broadcast_in_dim3A = vector.broadcast %jit3A : f32 to vector<1000x1xf32>
    %select_n3A = arith.select %gt3A_9, %rsqrt3A, %broadcast_in_dim3A : vector<1000x1xi1>, vector<1000x1xf32>
    %get3A_10 = arith.constant 0 : index
    %get3A_11 = arith.constant 0 : index
    %get3A_12 = vector.load %arg3[%get3A_10, %get3A_11] : memref<1000x1xf32, #tpu.memory_space<vmem>>, vector<1000x1xf32>
    %select_n3A_13 = arith.select %eq3A_2, %select_n3A, %get3A_12 : vector<1000x1xf32>
    %get3A_14 = arith.constant 0 : index
    %get3A_15 = arith.constant 0 : index
    %get3A_16 = vector.load %arg2[%get3A_14, %get3A_15] : memref<1000x128xf32, #tpu.memory_space<vmem>>, vector<1000x128xf32>
    %add3A_17 = arith.addf %get3A_5, %get3A_16 : vector<1000x128xf32>
    %mul3A = vector.broadcast %select_n3A_13 : vector<1000x1xf32> to vector<1000x128xf32>
    %mul3A_18 = arith.mulf %mul3A, %add3A_17 : vector<1000x128xf32>
    %get3A_19 = arith.constant 0 : index
    %get3A_20 = arith.constant 0 : index
    %get3A_21 = vector.load %arg6[%get3A_19, %get3A_20] : memref<1x128xf32, #tpu.memory_space<vmem>>, vector<1x128xf32>
    %add3A_22 = vector.broadcast %get3A_21 : vector<1x128xf32> to vector<1000x128xf32>
    %add3A_23 = arith.addf %mul3A_18, %add3A_22 : vector<1000x128xf32>
    %swap3A = arith.constant 0 : index
    %swap3A_24 = arith.constant 0 : index
    %swap3A_25 = vector.load %arg10[%swap3A, %swap3A_24] : memref<1000x128xf32, #tpu.memory_space<vmem>>, vector<1000x128xf32>
    tpu.vector_store %arg10[%swap3A, %swap3A_24], %add3A_23 {strides = array<i32>} : memref<1000x128xf32, #tpu.memory_space<vmem>>, vector<1000x128xf32>,
    %get3A_26 = arith.constant 0 : index
    %get3A_27 = arith.constant 0 : index
    %get3A_28 = vector.load %arg4[%get3A_26, %get3A_27] : memref<1000x128xf32, #tpu.memory_space<vmem>>, vector<1000x128xf32>
    %max3A = arith.constant 0.000000e+00 : f32
    %max3A_29 = vector.broadcast %max3A : f32 to vector<1000x128xf32>
    %max3A_30 = arith.maximumf %add3A_23, %max3A_29 : vector<1000x128xf32>
    %select_n3A_31 = arith.select %eq3A_2, %get3A_28, %max3A_30 : vector<1000x128xf32>
    %get3A_32 = arith.constant 0 : index
    %get3A_33 = arith.constant 0 : index
    %get3A_34 = vector.load %arg7[%get3A_32, %get3A_33] : memref<128x128xf32, #tpu.memory_space<vmem>>, vector<128x128xf32>
    %dot_general3A = arith.constant dense<0.000000e+00> : vector<1000x128xf32>
    %dot_general3A_35 = tpu.matmul %select_n3A_31, %get3A_34, %dot_general3A {dimension_numbers = #tpu.dot_dimension_numbers<[1], [0], [0], [1], [0, 0, 1, 1], [], []>, transpose_lhs_hint = false} : vector<1000x128xf32>, vector<128x128xf32>, vector<1000x128xf32> -> vector<1000x128xf32>
    %mul3A_36 = vector.broadcast %select_n3A_13 : vector<1000x1xf32> to vector<1000x128xf32>
    %mul3A_37 = arith.mulf %dot_general3A_35, %mul3A_36 : vector<1000x128xf32>
    %swap3A_38 = arith.constant 0 : index
    %swap3A_39 = arith.constant 0 : index
    %swap3A_40 = vector.load %arg8[%swap3A_38, %swap3A_39] : memref<1000x128xf32, #tpu.memory_space<vmem>>, vector<1000x128xf32>
    tpu.vector_store %arg8[%swap3A_38, %swap3A_39], %mul3A_37 {strides = array<i32>} : memref<1000x128xf32, #tpu.memory_space<vmem>>, vector<1000x128xf32>,
    %swap3A_41 = arith.constant 0 : index
    %swap3A_42 = arith.constant 0 : index
    %swap3A_43 = vector.load %arg9[%swap3A_41, %swap3A_42] : memref<1000x1xf32, #tpu.memory_space<vmem>>, vector<1000x1xf32>
    tpu.vector_store %arg9[%swap3A_41, %swap3A_42], %select_n3A_13 {strides = array<i32>} : memref<1000x1xf32, #tpu.memory_space<vmem>>, vector<1000x1xf32>,
    return
  }
  func.func @transform_0(%arg0: i32) -> (i32, i32) {
    %c0_i32 = arith.constant 0 : i32
    %c0_i32_0 = arith.constant 0 : i32
    return %arg0, %c0_i32 : i32, i32
  }
  func.func @transform_1(%arg0: i32) -> (i32, i32) {
    %c0_i32 = arith.constant 0 : i32
    %c0_i32_0 = arith.constant 0 : i32
    return %arg0, %c0_i32 : i32, i32
  }
  func.func @transform_2(%arg0: i32) -> (i32, i32) {
    %c0_i32 = arith.constant 0 : i32
    %c0_i32_0 = arith.constant 0 : i32
    return %arg0, %c0_i32 : i32, i32
  }
  func.func @transform_3(%arg0: i32) -> (i32, i32) {
    %c0_i32 = arith.constant 0 : i32
    %c0_i32_0 = arith.constant 0 : i32
    return %arg0, %c0_i32 : i32, i32
  }
  func.func @transform_4(%arg0: i32) -> (i32, i32) {
    %c0_i32 = arith.constant 0 : i32
    %c0_i32_0 = arith.constant 0 : i32
    %c0_i32_1 = arith.constant 0 : i32
    return %c0_i32, %c0_i32_0 : i32, i32
  }
  func.func @transform_5(%arg0: i32) -> (i32, i32) {
    %c0_i32 = arith.constant 0 : i32
    %c0_i32_0 = arith.constant 0 : i32
    %c0_i32_1 = arith.constant 0 : i32
    return %c0_i32, %c0_i32_0 : i32, i32
  }
  func.func @transform_6(%arg0: i32) -> (i32, i32) {
    %c0_i32 = arith.constant 0 : i32
    %c0_i32_0 = arith.constant 0 : i32
    %c0_i32_1 = arith.constant 0 : i32
    return %c0_i32, %c0_i32_0 : i32, i32
  }
  func.func @transform_7(%arg0: i32) -> (i32, i32) {
    %c0_i32 = arith.constant 0 : i32
    %c0_i32_0 = arith.constant 0 : i32
    return %arg0, %c0_i32 : i32, i32
  }
  func.func @transform_8(%arg0: i32) -> (i32, i32) {
    %c0_i32 = arith.constant 0 : i32
    %c0_i32_0 = arith.constant 0 : i32
    return %arg0, %c0_i32 : i32, i32
  }
  func.func @transform_9(%arg0: i32) -> (i32, i32) {
    %c0_i32 = arith.constant 0 : i32
    %c0_i32_0 = arith.constant 0 : i32
    return %arg0, %c0_i32 : i32, i32
  }
}

</mosaic_0001>

<sc_bundles>
// kernel: closed_call.15.cloned.1.call-start
scs
__scs_entry_jumppad:
0x0: {  	(pc) =	sbr.rel $0x88, $3  }
0x1: {  	(tag) =	ssettag $0x0;
	lr =	simm.s32 $0x1  }
0x2: {  	[smem:$0x3F99] =	sst lr;
	_ =	strace $0xD0000000  }
0x3: {  	_ = 	snop  }
0x4: {  	_ = 	snop  }
0x5: {  	_ = 	snop  }
0x6: {  	_ = 	snop  }
0x7: {  	_ = 	snop  }
__scs_overlays_trampoline_lowered:
0x8: {  	[smem:$0x3FA8] =	sst s0  }
0x9: {  	[smem:$0x3FA9] =	sst s1  }
0xa: {  	[smem:$0x3FAA] =	sst s2  }
0xb: {  	[smem:$0x3FAB] =	sst s3  }
0xc: {  	[smem:$0x3FAC] =	sst s4  }
0xd: {  	[smem:$0x3FAD] =	sst s5  }
0xe: {  	[smem:$0x3FAE] =	sst s6  }
0xf: {  	[smem:$0x3FAF] =	sst s7  }
0x10: {  	[smem:$0x3FB0] =	sst s8  }
0x11: {  	[smem:$0x3FB1] =	sst s9;
	s0 =	simm.s32 @!p0 $0x0  }
0x12: {  	s1 =	sld [smem:$0x3F97];
	s0 =	simm.s32 @p0 $0x1  }
0x13: {  	[smem:$0x3FB2] =	sst s0;
	s0 =	simm.s32 @!p1 $0x0  }
0x14: {  	s2 =	sld [smem:$0x3F96];
	s0 =	simm.s32 @p1 $0x1  }
0x15: {  	[smem:$0x3FB3] =	sst s0;
	s0 =	simm.s32 @!p2 $0x0  }
0x16: {  	s3 =	sld [smem:$0x3FDB];
	s0 =	simm.s32 @p2 $0x1  }
0x17: {  	s4 =	simm.s32 $0x1BF5;
	[smem:$0x3FB5] =	sst s0  }
0x18: {  	s0 =	sld [smem:$0x3F98];
	_ =	swait.ge [sflag:s4], $0x0  }
0x19: {  	s7 =	sld [smem:$0x3F99]  }
0x1a: {  	s8 =	sadd.s32 $0xFFFFE003, lr  }
0x1b: {  	s9 =	sadd.s32 $0xFFFFFEF7, lr;
	s5 =	simm.s32 $0xFFFFFFFF;
	p2 =	slt.u32 s8, $0xFFFFF086  }
0x1c: {  	p1 =	slt.u32 s9, $0xF7A;
	s5 =	simm.s32 @!p2 $0x0  }
0x1d: {  	s5 =	simm.s32 @p1 $0x1;
	p0 =	seq.s32 s7, s2  }
0x1e: {  	s7 =	smul.u32 @!p0 $0xF7A, s2;
	p2 =	seq.s32 @!p0 s5, $0x0  }
0x1f: {  	s9 =	smul.u32 $0xF7A, s1;
	s8 =	simm.s32 @!p0 $0x1BF5;
	p2 =	por !p2, p0  }
0x20: {  	[sflag:s8] =	ssyncset.s32 @!p0 $0xFFFFF086;
	s6 =	sadd.s32 @!p0 s3, s7;
	s7 =	simm.s32 @!p0 $0x108  }
0x21: {  	s3 =	sadd.s32 s3, s9;
	s6 =	sadd.s32 @!p0 $0x88, s6;
	s7 =	simm.s32 @p2 $0x1082  }
0x22: {  	[simem:s7], [sflag:s8] =	dma.local @!p0 [hbm:s6], $0xF7A  }
0x23: {  	s9 =	sor.u32 $0xD0000000, s2;
	s6 =	simm.s32 $0x108;
	_ =	swait.ge @!p0 [sflag:s8], $0x0  }
0x24: {  	s3 =	sadd.s32 $0x88, s3;
	s6 =	simm.s32 @!p1 $0x1082;
	[sflag:s4] =	ssyncset.s32 $0xFFFFF086  }
0x25: {  	[simem:s6], [sflag:s4] =	dma.local [hbm:s3], $0xF7A  }
0x26: {  	[smem:$0x3F99] =	sst s1;
	(tag) =	ssettag s2;
	_ =	strace s9  }
0x27: {  	s1 =	sld [smem:$0x3FA9]  }
0x28: {  	s2 =	sld [smem:$0x3FAA]  }
0x29: {  	s4 =	sld [smem:$0x3FAC]  }
0x2a: {  	p0 =	seq.s32 s5, $0x0;
	s5 =	sld [smem:$0x3FAD]  }
0x2b: {  	s6 =	sld [smem:$0x3FAE]  }
0x2c: {  	s7 =	sld [smem:$0x3FAF]  }
0x2d: {  	s3 =	simm.s32 $0x108;
	s8 =	sld [smem:$0x3FB0]  }
0x2e: {  	s3 =	simm.s32 @!p0 $0x1082;
	s9 =	sld [smem:$0x3FB1]  }
0x2f: {  	lr =	sadd.s32 s0, s3;
	s0 =	sld [smem:$0x3FA8]  }
0x30: {  	s3 =	sld [smem:$0x3FAB]  }
0x31: {  	[smem:$0x3FB4] =	sst s10  }
0x32: {  	s10 =	sld [smem:$0x3FB2];
	_ =	sdelay $0x3  }
0x33: {  	p0 =	seq.s32 s10, $0x1;
	s10 =	sld [smem:$0x3FB4];
	_ =	sdelay $0x3  }
0x34: {  	[smem:$0x3FB4] =	sst s10  }
0x35: {  	s10 =	sld [smem:$0x3FB3];
	_ =	sdelay $0x3  }
0x36: {  	p1 =	seq.s32 s10, $0x1;
	s10 =	sld [smem:$0x3FB4];
	_ =	sdelay $0x3  }
0x37: {  	[smem:$0x3FB4] =	sst s10  }
0x38: {  	s10 =	sld [smem:$0x3FB5]  }
0x39: {  	_ = 	snop;
	(pc) =	sbr.ind lr, $3  }
0x3a: {  	_ = 	snop  }
0x3b: {  	_ = 	snop  }
0x3c: {  	p2 =	seq.s32 s10, $0x1;
	s10 =	sld [smem:$0x3FB4]  }
0x3d: {  	_ =	shalt  }
0x3e: {  	_ =	shalt  }
0x3f: {  	_ =	shalt  }
0x40: {  	_ =	shalt  }
0x41: {  	_ =	shalt  }
0x42: {  	_ =	shalt  }
0x43: {  	_ =	shalt  }
0x44: {  	_ =	shalt  }
0x45: {  	_ =	shalt  }
0x46: {  	_ =	shalt  }
0x47: {  	_ =	shalt  }
0x48: {  	_ =	shalt  }
0x49: {  	_ =	shalt  }
0x4a: {  	_ =	shalt  }
0x4b: {  	_ =	shalt  }
0x4c: {  	_ =	shalt  }
0x4d: {  	_ =	shalt  }
0x4e: {  	_ =	shalt  }
0x4f: {  	_ =	shalt  }
0x50: {  	_ =	shalt  }
0x51: {  	_ =	shalt  }
0x52: {  	_ =	shalt  }
0x53: {  	_ =	shalt  }
0x54: {  	_ =	shalt  }
0x55: {  	_ =	shalt  }
0x56: {  	_ =	shalt  }
0x57: {  	_ =	shalt  }
0x58: {  	_ =	shalt  }
0x59: {  	_ =	shalt  }
0x5a: {  	_ =	shalt  }
0x5b: {  	_ =	shalt  }
0x5c: {  	_ =	shalt  }
0x5d: {  	_ =	shalt  }
0x5e: {  	_ =	shalt  }
0x5f: {  	_ =	shalt  }
0x60: {  	_ =	shalt  }
0x61: {  	_ =	shalt  }
0x62: {  	_ =	shalt  }
0x63: {  	_ =	shalt  }
0x64: {  	_ =	shalt  }
0x65: {  	_ =	shalt  }
0x66: {  	_ =	shalt  }
0x67: {  	_ =	shalt  }
0x68: {  	_ =	shalt  }
0x69: {  	_ =	shalt  }
0x6a: {  	_ =	shalt  }
0x6b: {  	_ =	shalt  }
0x6c: {  	_ =	shalt  }
0x6d: {  	_ =	shalt  }
0x6e: {  	_ =	shalt  }
0x6f: {  	_ =	shalt  }
0x70: {  	_ =	shalt  }
0x71: {  	_ =	shalt  }
0x72: {  	_ =	shalt  }
0x73: {  	_ =	shalt  }
0x74: {  	_ =	shalt  }
0x75: {  	_ =	shalt  }
0x76: {  	_ =	shalt  }
0x77: {  	_ =	shalt  }
0x78: {  	_ =	shalt  }
0x79: {  	_ =	shalt  }
0x7a: {  	_ =	shalt  }
0x7b: {  	_ =	shalt  }
0x7c: {  	_ =	shalt  }
0x7d: {  	_ =	shalt  }
0x7e: {  	_ =	shalt  }
0x7f: {  	_ =	shalt  }
0x80: {  	_ =	shalt  }
0x81: {  	_ =	shalt  }
0x82: {  	_ =	shalt  }
0x83: {  	_ =	shalt  }
0x84: {  	_ =	shalt  }
0x85: {  	_ =	shalt  }
0x86: {  	_ =	shalt  }
0x87: {  	_ =	shalt  }
.Lfunc_end0:
.L_simem_size_0:
called_computation_lowered:
.L_overlay_start_0:
0x88: {  	s2 =	sld [smem:$0x3FD9]  }
0x89: {  	s3 =	sld [smem:$0x3FFE];
	_ =	sdelay $0x1  }
0x8a: {  	s1 =	srdreg.scid  }
0x8b: {  	s0 =	sand.u32 $0x1, s1  }
0x8c: {  	s17 =	sshll.u32 s0, $0xA;
	s2 =	sadd.s32 s3, s2  }
0x8d: {  	s2 =	sadd.s32 s2, s17  }
0x8e: {  	[smem:$0x3FC0] =	sst s2  }
0x8f: {  	_ = 	snop  }
0x90: {  	s2 =	sld [smem:$0x3FD0];
	(tm) =	ssettm $0x1  }
0x91: {  	s18 =	sld [smem:$0x3FFB];
	_ =	sdelay $0x3  }
0x92: {  	_ =	strace s18  }
0x93: {  	s3 =	sld [smem:$0x3FFC];
	_ =	sdelay $0x3  }
0x94: {  	_ =	strace s3  }
0x95: {  	s3 =	sld [smem:$0x3FFD];
	_ =	sdelay $0x3  }
0x96: {  	_ =	strace s3  }
0x97: {  	_ =	strace $0x8FFFFFFF  }
0x98: {  	s19 =	sld [smem:$0x3FDB];
	_ =	sdelay $0x1  }
0x99: {  	s4 =	simm.s32 $_scs_section_size  }
0x9a: {  	s5 =	simm.s32 $_size__tile_overlayer_lowered;
	s6 =	simm.s32 $_tile_overlayer_lowered  }
0x9b: {  	s22 =	simm.s32 $0x1BFF;
	s21 =	sshll.u32 s6, $0x1;
	s3 =	sadd.s32 s4, s19  }
0x9c: {  	s7 =	simm.s32 $0x0;
	s20 =	sshll.u32 s5, $0x1;
	s5 =	sadd.s32 s21, s3  }
0x9d: {  	[timem:s7], [sflag:s22] =	dma.local [hbm:s5], s20  }
0x9e: {  	_ =	swait.ge [sflag:s22], s20  }
0x9f: {  	s4 =	ssub.s32 $0x0, s20;
	[sflag:s22] =	ssyncset.done $0x0  }
0xa0: {  	[sflag:s22] =	ssyncadd.s32 s4;
	_ =	sdelay $0x1  }
0xa1: {  	s23 =	simm.s32 $0x1B8B  }
0xa2: {  	_ =	swait.ge [sflag:s23], $0x1  }
0xa3: {  	[sflag:s23] =	ssyncset.done $0x0  }
0xa4: {  	s25 =	simm.s32 $0x1B8E;
	s24 =	sld [smem:$0x3FFE];
	[sflag:s23] =	ssyncadd.s32 $0xFFFFFFFF  }
0xa5: {  	s26 =	simm.s32 $execute0_lowered;
	[smem:$0x3FD2] =	sst s25  }
0xa6: {  	s5 =	sshll.u32 s26, $0x1;
	_ =	strace $0x80000046;
	[dreg:$0x1] =	wrdreg $0xFFFFFFFF  }
0xa7: {  	s28 =	simm.s32 $_size_execute0_lowered;
	s3 =	sadd.s32 s3, s5;
	[dreg:$0x0] =	wrdreg $0x0  }
0xa8: {  	s5 =	sshll.u32 s28, $0x1;
	[dreg:$0x2] =	wrdreg s3  }
0xa9: {  	[dreg:$0x3] =	wrdreg s5  }
0xaa: {  	[dreg:$0x4] =	wrdreg $0xC0  }
0xab: {  	_ =	task [dreg:s7], $0x5FFFF  }
0xac: {  	[dreg:$0x1] =	wrdreg $0xFFFFFFFF  }
0xad: {  	[dreg:$0x0] =	wrdreg $0x60  }
0xae: {  	[dreg:$0x2] =	wrdreg s2  }
0xaf: {  	[dreg:$0x3] =	wrdreg s24  }
0xb0: {  	[dreg:$0x4] =	wrdreg $0x120000  }
0xb1: {  	[dreg:$0x5] =	wrdreg $0x9  }
0xb2: {  	_ =	task.clear_ibuf [dreg:s7], $0x6FFFF;
	_ =	strace $0x90000046  }
0xb3: {  	s29 =	simm.s32 $0x9;
	_ =	strace $0x80000048  }
0xb4: {  	_ =	swait.ge [sflag:s29], $0x1  }
0xb5: {  	[sflag:s29] =	ssyncadd.s32 $0xFFFFFFFF  }
0xb6: {  	_ =	strace $0x90000048  }
0xb7: {  	_ =	sfence  }
0xb8: {  	s30 =	sld [smem:$0x0];
	_ =	sdelay $0x2  }
0xb9: {  	s31 =	sshll.u32 s1, $0xD;
	s1 =	sshrl.u32 s1, $0x2  }
0xba: {  	s3 =	sand.u32 $0x4000, s31;
	s1 =	sadd.s32 s1, s30  }
0xbb: {  	s0 =	sor.u32 s3, s0;
	s1 =	sshll.u32 s1, $0x11  }
0xbc: {  	s0 =	sor.u32 s1, s0  }
0xbd: {  	s0 =	sadd.s32 $0x8F2B, s0  }
0xbe: {  	[sflag:s0] =	ssyncadd.remote.s32 $0x1  }
0xbf: {  	_ =	sfence.sel $0xFFFF  }
0xc0: {  	[dreg:$0x0] =	wrdreg $0xFFFFFFFF;
	(pc) =	sbr.abs _section_cstart, $3  }
0xc1: {  	[dreg:$0x1] =	wrdreg $0xFFFFFFFF  }
0xc2: {  	_ =	task.clear_ibuf [dreg:s7], $0x2FFFF;
	_ =	strace $0x9FFFFFFF  }
0xc3: {  	(tm) =	ssettm $0x7FFFFFFF  }
tec
execute0_lowered:
.L_overlay_start_1:
0x0: {  	(tag) =	ssettag $0x1  }
0x1: {  	s1 =	rddreg [dreg:$0x0]  }
0x2: {  	s6 =	rddreg [dreg:$0x1];
	s0 =	stileid.u32  }
0x3: {  	s2 =	srdreg.scid;
	s3 =	rddreg [dreg:$0x2]  }
0x4: {  	s4 =	simm.s32 $0x0;
	s19 =	simm.s32 $0x80;
	s20 =	simm.s32 $0xA000  }
0x5: {  	s21 =	simm.s32 $0xE000;
	s22 =	simm.s32 $0x1;
	s5 =	smul.u32 $0x5000, s0  }
0x6: {  	s7 =	sand.u32 $0x1, s2;
	s2 =	rddreg [dreg:$0x3];
	s24 =	smul.u32 $0x2C000, s0  }
0x7: {  	[smem:$0x7FF] =	sst s4;
	s13 =	smul.u32 $0xB000, s0;
	s14 =	sadd.s32 $0x20A00, s6  }
0x8: {  	s17 =	sshll.u32 s0, $0x6;
	s8 =	smul.u32 $0x50000, s7;
	_ =	strace $0x80000047  }
0x9: {  	s11 =	ssub.s32 $0x2, s7;
	s12 =	smul.u32 $0xB0000, s7;
	s17 =	sor.u32 $0x1C03, s17  }
0xa: {  	s9 =	sshrl.u32 s5, $0x3;
	s25 =	sshrl.u32 s11, $0x1;
	s26 =	sshrl.u32 s24, $0x2  }
0xb: {  	s29 =	sadd.s32 $0x4000, s13;
	s24 =	simm.s32 $0x9F00;
	s5 =	sadd.s32 s5, s8  }
0xc: {  	s23 =	sadd.s32 s9, s6;
	s15 =	ssub.s32 s11, s25;
	s28 =	sadd.s32 s13, s12  }
0xd: {  	s8 =	sadd.s32 s26, s3;
	s30 =	sadd.s32 s12, s29;
	s13 =	sadd.s32 $0x8000, s13  }
0xe: {  	s25 =	simm.s32 $0x9F80;
	s26 =	simm.s32 $0x0;
	s5 =	sshrl.u32 s5, $0x3  }
0xf: {  	s9 =	sshrl.u32 s28, $0x3;
	s11 =	sshrl.u32 s30, $0x3;
	s16 =	sadd.s32 s12, s13  }
0x10: {  	s12 =	sadd.s32 s13, s3;
	s18 =	sshrl.u32 s8, $0x3;
	s10 =	sadd.s32 s5, s6  }
0x11: {  	s5 =	sadd.s32 $0x1F400, s6;
	s6 =	sadd.s32 $0x15400, s23;
	s9 =	sadd.s32 s14, s9  }
0x12: {  	s11 =	sadd.s32 s14, s11;
	s31 =	sshrl.u32 s16, $0x3;
	s16 =	simm.s32 $0x5000  }
0x13: {  	s23 =	simm.s32 $0x2;
	s7 =	sadd.s32 $0x1400, s10;
	s10 =	sadd.s32 s29, s3  }
0x14: {  	s13 =	sadd.s32 s14, s31;
	s14 =	smax.u32 s15, $0x1;
	s15 =	simm.s32 $0x3  }
.LBB2_1:
0x15: {  	[tilespmem:s4], [sflag:$0x3] =	stream.linear.gather [hbm4b:s6+s4], $0x5000, $0x38;
	[tilespmem:$0x1D000] =	vst v63  }
0x16: {  	_ =	swait.ge [sflag:s15], $0x5000  }
0x17: {  	[sflag:s15] =	ssyncset.done $0x0  }
0x18: {  	[sflag:s15] =	ssyncadd.s32 $0xFFFFB000  }
0x19: {  	[tilespmem:s16], [sflag:$0x3] =	stream.linear.gather [hbm4b:s7+s4], $0x5000, $0x38;
	[tilespmem:$0x1D000] =	vst v63  }
0x1a: {  	_ =	swait.ge [sflag:s15], $0x5000  }
0x1b: {  	[sflag:s15] =	ssyncset.done $0x0  }
0x1c: {  	[sflag:s15] =	ssyncadd.s32 $0xFFFFB000  }
0x1d: {  	[spmem:s18], [sflag:s17] =	dma.local [hbm:s5], $0x1600  }
0x1e: {  	_ =	swait.ge [sflag:s15], $0x1600  }
0x1f: {  	[sflag:s15] =	ssyncset.done $0x0  }
0x20: {  	[sflag:s15] =	ssyncadd.s32 $0xFFFFEA00  }
0x21: {  	[bflag:$0x0] =	sbarrier.arrive $0xFFFF  }
0x22: {  	[tilespmem:s20], [sflag:$0x1] =	stream.indirect.gather [hbm4b:s1+s19], $0x80, s4, s19, $0xb8;
	[tilespmem:$0x1D000] =	vst v63  }
0x23: {  	_ = 	snop  }
0x24: {  	[tilespmem:s21], [sflag:$0x2] =	stream.indirect.gather [hbm4b:s1+s19], $0x80, s19, s19, $0xb8;
	[tilespmem:$0x1D000] =	vst v63  }
0x25: {  	_ =	swait.ge [sflag:s22], $0x4000  }
0x26: {  	[sflag:s22] =	ssyncset.done $0x0  }
0x27: {  	s28 =	simm.s32 $0x5000;
	[sflag:s22] =	ssyncadd.s32 $0xFFFFC000  }
0x28: {  	[spmem:s3] =	stream.indirect.scatter.add.f32 [tilespmem:s20], [sflag:$0x3], $0x80, s28, s19, $0xb8;
	[tilespmem:$0x1D000] =	vst v63  }
0x29: {  	_ =	swait.ge [sflag:s15], $0x4000  }
0x2a: {  	[sflag:s15] =	ssyncset.done $0x0  }
0x2b: {  	s28 =	simm.s32 $0x100;
	[sflag:s15] =	ssyncadd.s32 $0xFFFFC000  }
0x2c: {  	[tilespmem:s20], [sflag:$0x1] =	stream.indirect.gather [hbm4b:s1+s19], $0x80, s28, s19, $0xb8;
	[tilespmem:$0x1D000] =	vst v63  }
0x2d: {  	_ =	swait.ge [sflag:s23], $0x4000  }
0x2e: {  	[sflag:s23] =	ssyncset.done $0x0  }
0x2f: {  	s28 =	simm.s32 $0x5080;
	[sflag:s23] =	ssyncadd.s32 $0xFFFFC000  }
0x30: {  	[spmem:s3] =	stream.indirect.scatter.add.f32 [tilespmem:s21], [sflag:$0x3], $0x80, s28, s19, $0xb8;
	[tilespmem:$0x1D000] =	vst v63  }
0x31: {  	_ =	swait.ge [sflag:s15], $0x4000  }
0x32: {  	[sflag:s15] =	ssyncset.done $0x0  }
0x33: {  	s29 =	simm.s32 $0x180;
	s28 =	simm.s32 $0x400;
	[sflag:s15] =	ssyncadd.s32 $0xFFFFC000  }
.LBB2_2:
0x34: {  	[tilespmem:s21], [sflag:$0x2] =	stream.indirect.gather [hbm4b:s1+s19], $0x80, s29, s19, $0xb8;
	[tilespmem:$0x1D000] =	vst v63  }
0x35: {  	s29 =	smov.u32 s28  }
0x36: {  	p0 =	sne.s32 s28, $0x13800;
	s28 =	sadd.s32 $0x400, s28;
	_ =	swait.ge [sflag:s22], $0x4000  }
0x37: {  	s29 =	sshra.s32 s29, $0x2;
	[sflag:s22] =	ssyncset.done $0x0  }
0x38: {  	s30 =	sadd.s32 $0x5000, s29;
	[sflag:s22] =	ssyncadd.s32 $0xFFFFC000  }
0x39: {  	[spmem:s3] =	stream.indirect.scatter.add.f32 [tilespmem:s20], [sflag:$0x3], $0x80, s30, s19, $0xb8;
	[tilespmem:$0x1D000] =	vst v63  }
0x3a: {  	_ =	swait.ge [sflag:s15], $0x4000  }
0x3b: {  	[sflag:s15] =	ssyncset.done $0x0  }
0x3c: {  	s30 =	sadd.s32 $0x100, s29;
	[sflag:s15] =	ssyncadd.s32 $0xFFFFC000  }
0x3d: {  	[tilespmem:s20], [sflag:$0x1] =	stream.indirect.gather [hbm4b:s1+s19], $0x80, s30, s19, $0xb8;
	[tilespmem:$0x1D000] =	vst v63  }
0x3e: {  	_ =	swait.ge [sflag:s23], $0x4000  }
0x3f: {  	[sflag:s23] =	ssyncset.done $0x0  }
.Ltmp0:
0x40: {  	s30 =	sadd.s32 $0x5080, s29;
	[sflag:s23] =	ssyncadd.s32 $0xFFFFC000;
	(pc) =	sbr.rel @p0 .LBB2_2-.Ltmp0, $4  }
0x41: {  	[spmem:s3] =	stream.indirect.scatter.add.f32 [tilespmem:s21], [sflag:$0x3], $0x80, s30, s19, $0xb8;
	[tilespmem:$0x1D000] =	vst v63  }
0x42: {  	_ =	swait.ge [sflag:s15], $0x4000  }
0x43: {  	[sflag:s15] =	ssyncset.done $0x0  }
0x44: {  	s29 =	sadd.s32 $0x180, s29;
	[sflag:s15] =	ssyncadd.s32 $0xFFFFC000  }
0x45: {  	[tilespmem:s21], [sflag:$0x2] =	stream.indirect.gather [hbm4b:s1+s19], $0x80, s29, s19, $0xb8;
	[tilespmem:$0x1D000] =	vst v63  }
0x46: {  	_ =	swait.ge [sflag:s22], $0x4000  }
0x47: {  	[sflag:s22] =	ssyncset.done $0x0  }
0x48: {  	[sflag:s22] =	ssyncadd.s32 $0xFFFFC000  }
0x49: {  	[spmem:s3] =	stream.indirect.scatter.add.f32 [tilespmem:s20], [sflag:$0x3], $0x80, s24, s19, $0xb8;
	[tilespmem:$0x1D000] =	vst v63  }
0x4a: {  	_ =	swait.ge [sflag:s15], $0x4000  }
0x4b: {  	[sflag:s15] =	ssyncset.done $0x0  }
0x4c: {  	[sflag:s15] =	ssyncadd.s32 $0xFFFFC000  }
0x4d: {  	_ =	swait.ge [sflag:s23], $0x4000  }
0x4e: {  	[sflag:s23] =	ssyncset.done $0x0  }
0x4f: {  	[sflag:s23] =	ssyncadd.s32 $0xFFFFC000  }
0x50: {  	[spmem:s3] =	stream.indirect.scatter.add.f32 [tilespmem:s21], [sflag:$0x3], $0x80, s25, s19, $0xb8;
	[tilespmem:$0x1D000] =	vst v63  }
0x51: {  	_ =	swait.ge [sflag:s15], $0x4000  }
0x52: {  	[sflag:s15] =	ssyncset.done $0x0  }
0x53: {  	[sflag:s15] =	ssyncadd.s32 $0xFFFFC000  }
0x54: {  	[bflag:$0x0] =	sbarrier.arrive $0xFFFF  }
0x55: {  	[tilespmem:s20], [sflag:$0x3] =	stream.linear.gather [spmem:s8], $0x4000, $0x38;
	[tilespmem:$0x1D000] =	vst v63  }
0x56: {  	_ =	swait.ge [sflag:s15], $0x4000  }
0x57: {  	[sflag:s15] =	ssyncset.done $0x0  }
0x58: {  	[sflag:s15] =	ssyncadd.s32 $0xFFFFC000  }
0x59: {  	[hbm4b:s9+s4] =	stream.linear.scatter [tilespmem:s20], [sflag:$0x3], $0x4000, $0x38;
	[tilespmem:$0x1D000] =	vst v63  }
0x5a: {  	_ =	swait.ge [sflag:s15], $0x4000  }
0x5b: {  	[sflag:s15] =	ssyncset.done $0x0  }
0x5c: {  	[sflag:s15] =	ssyncadd.s32 $0xFFFFC000  }
0x5d: {  	[tilespmem:s20], [sflag:$0x3] =	stream.linear.gather [spmem:s10], $0x4000, $0x38;
	[tilespmem:$0x1D000] =	vst v63  }
0x5e: {  	_ =	swait.ge [sflag:s15], $0x4000  }
0x5f: {  	[sflag:s15] =	ssyncset.done $0x0  }
0x60: {  	[sflag:s15] =	ssyncadd.s32 $0xFFFFC000  }
0x61: {  	[hbm4b:s11+s4] =	stream.linear.scatter [tilespmem:s20], [sflag:$0x3], $0x4000, $0x38;
	[tilespmem:$0x1D000] =	vst v63  }
0x62: {  	_ =	swait.ge [sflag:s15], $0x4000  }
0x63: {  	[sflag:s15] =	ssyncset.done $0x0  }
0x64: {  	[sflag:s15] =	ssyncadd.s32 $0xFFFFC000  }
0x65: {  	[tilespmem:s20], [sflag:$0x3] =	stream.linear.gather [spmem:s12], $0x3000, $0x38;
	[tilespmem:$0x1D000] =	vst v63  }
0x66: {  	s26 =	sadd.s32 $0x1, s26;
	_ =	swait.ge [sflag:s15], $0x3000  }
0x67: {  	p0 =	sne.s32 s26, s14;
	[sflag:s15] =	ssyncset.done $0x0  }
.Ltmp1:
0x68: {  	[sflag:s15] =	ssyncadd.s32 $0xFFFFD000;
	(pc) =	sbr.rel @p0 .LBB2_1-.Ltmp1, $4  }
0x69: {  	[hbm4b:s13+s4] =	stream.linear.scatter [tilespmem:s20], [sflag:$0x3], $0x3000, $0x38;
	[tilespmem:$0x1D000] =	vst v63  }
0x6a: {  	_ =	swait.ge [sflag:s15], $0x3000  }
0x6b: {  	[sflag:s15] =	ssyncset.done $0x0  }
0x6c: {  	[sflag:s15] =	ssyncadd.s32 $0xFFFFD000  }
0x6d: {  	_ =	sfence.sel $0x180000  }
0x6e: {  	[bflag:$0x0] =	sbarrier.arrive $0xFFFF  }
0x6f: {  	p0 =	sne.s32 s0, $0x0;
	_ =	strace $0x90000047  }
0x70: {  	s0 =	sadd.s32 @!p0 $0x100000, s2;
	[bflag:$0x2] =	sbarrier.arrive $0xFFFF  }
0x71: {  	[sflag:s0] =	ssyncadd.tile.s32 @!p0 $0x1;
	_ =	shalt  }
.Lfunc_end2:
_tile_overlayer_lowered:
.L_overlay_start_2:
0x72: {  	(tag) =	ssettag $0x2  }
0x73: {  	s0 =	rddreg [dreg:$0x0];
	s2 =	stileid.u32  }
0x74: {  	s1 =	rddreg [dreg:$0x1];
	p0 =	sne.s32 s2, $0x0  }
0x75: {  	s3 =	rddreg [dreg:$0x2];
	[bflag:$0x3] =	sbarrier.arrive $0xFFFF;
	s2 =	simm.s32 @!p0 $0x1C03  }
0x76: {  	[timem:s3], [sflag:s2] =	dma.local @!p0 [hbm:s0], s1  }
0x77: {  	s0 =	simm.s32 @!p0 $0x3  }
0x78: {  	_ =	swait.ge @!p0 [sflag:s0], s1  }
0x79: {  	s1 =	ssub.s32 @!p0 $0x0, s1;
	[sflag:s0] =	ssyncset.done @!p0 $0x0  }
0x7a: {  	[sflag:s0] =	ssyncadd.s32 @!p0 s1  }
0x7b: {  	[bflag:$0x3] =	sbarrier.arrive $0xFFFF  }
0x7c: {  	_ =	shalt  }

</sc_bundles>
